<compile_context>
chip_gen: v7x
topology: tpu7x:2x2x1
jax: 0.10.2.dev20260603
libtpu: 0.0.44.dev20260713+nightly
codegen_flags: <defaults>
</compile_context>

<pallas_src>
import functools

import jax
import jax.numpy as jnp
from jax import lax
from jax.experimental import pallas as pl
from jax.experimental.pallas import tpu as pltpu
from jax.experimental.pallas import tpu_sc as plsc

B = 16
L = 2048
P = 4194304
ALPHA = 1e-4
BETA = 1.0
MAX_STD = 1000.0
MIN_STD = 1.0

NC = 2
NS = 16
LANES = 16
NW = NC * NS

P_SC = 2097152
PER_W = P_SC // NW
CHUNK = 16384
NCH = PER_W // CHUNK
NACC = 8

TC_BASE = P_SC
TC_ROW = 65536
TC_ROWS = 8
TCK = TC_ROW * TC_ROWS
NCH_TC = (P - P_SC) // TCK


@functools.cache
def _l1_partials_kernel():
    return pl.kernel(
        _l1_body,
        mesh=plsc.VectorSubcoreMesh(core_axis_name="c", subcore_axis_name="s"),
        out_type=jax.ShapeDtypeStruct((NW, LANES), jnp.float32),
        scratch_types=[
            pltpu.VMEM((CHUNK,), jnp.float32),
            pltpu.VMEM((CHUNK,), jnp.float32),
            pltpu.VMEM((LANES,), jnp.float32),
            pltpu.SemaphoreType.DMA,
            pltpu.SemaphoreType.DMA,
        ],
    )


def _l1_body(params_hbm, out_hbm, buf_a, buf_b, outv, sem_a, sem_b):
    c = lax.axis_index("c")
    s = lax.axis_index("s")
    wid = s * NC + c
    base = wid * PER_W
    bufs = (buf_a, buf_b)
    sems = (sem_a, sem_b)

    copies = [None, None]
    copies[0] = pltpu.async_copy(
        params_hbm.at[pl.ds(base, CHUNK)], bufs[0], sems[0])

    accs = tuple(jnp.zeros((LANES,), jnp.float32) for _ in range(NACC))
    span = LANES * NACC
    for ch in range(NCH):
        cur = ch % 2
        if ch + 1 < NCH:
            nxt = (ch + 1) % 2
            copies[nxt] = pltpu.async_copy(
                params_hbm.at[pl.ds(base + (ch + 1) * CHUNK, CHUNK)],
                bufs[nxt], sems[nxt])
        copies[cur].wait()
        buf = bufs[cur]

        def body(j, accs):
            s0 = j * span
            return tuple(
                a + jnp.abs(buf[pl.ds(s0 + k * LANES, LANES)])
                for k, a in enumerate(accs))

        accs = lax.fori_loop(0, CHUNK // span, body, accs)

    total = accs[0]
    for a in accs[1:]:
        total = total + a
    outv[...] = total
    pltpu.sync_copy(outv, out_hbm.at[wid])


def _tc1_body(logits_ref, labels_ref, aw_ref, params_ref,
              nll_ref, ap_ref, l1tc_ref, buf_a, buf_b, sem_a, sem_b):
    bufs = (buf_a, buf_b)
    sems = (sem_a, sem_b)

    def make_copies(ch, b):
        base = TC_BASE + ch * TCK
        return [pltpu.make_async_copy(
            params_ref.at[pl.ds(base + r * TC_ROW, TC_ROW)],
            bufs[b].at[r], sems[b]) for r in range(TC_ROWS)]

    pend = [None, None]
    for k in range(min(2, NCH_TC)):
        pend[k] = make_copies(k, k)
        for cp in pend[k]:
            cp.start()

    logits = logits_ref[...]
    labels = labels_ref[...]
    aw = aw_ref[...]

    m = jnp.max(logits, axis=1, keepdims=True)
    z = logits - m
    lse = jnp.log(jnp.sum(jnp.exp(z), axis=1, keepdims=True))
    logp = z - lse
    sel = jnp.where(labels == 1, logp[:, 1:2], logp[:, 0:1])
    nll = -jnp.mean(sel)

    xi = lax.broadcasted_iota(jnp.int32, (B, L), 1)
    x = (xi.astype(jnp.float32) + 1.0) * (1.0 / L)
    sums = jnp.sum(aw, axis=1, keepdims=True)
    means = jnp.sum(x * aw, axis=1, keepdims=True) / sums
    std = jnp.where(labels.astype(jnp.float32) == 1.0,
                    MIN_STD, MAX_STD) * (1.0 / L)
    t = (x - means) / std
    r_hat = jnp.exp(-0.5 * t * t) / (std * jnp.sqrt(2.0 * jnp.pi))
    rs = r_hat / (jnp.sum(r_hat, axis=1, keepdims=True) + 1e-6)
    diff = aw - rs
    ap = (BETA / 2.0) * jnp.mean(diff * diff)

    nll_ref[...] = nll.reshape(1, 1)
    ap_ref[...] = ap.reshape(1, 1)

    l1 = jnp.float32(0.0)
    for ch in range(NCH_TC):
        b = ch % 2
        for cp in pend[b]:
            cp.wait()
        l1 = l1 + jnp.sum(jnp.abs(bufs[b][...]))
        if ch + 2 < NCH_TC:
            pend[b] = make_copies(ch + 2, b)
            for cp in pend[b]:
                cp.start()
    l1tc_ref[...] = l1.reshape(1, 1)


_tc1_call = pl.pallas_call(
    _tc1_body,
    in_specs=[
        pl.BlockSpec(memory_space=pltpu.VMEM),
        pl.BlockSpec(memory_space=pltpu.VMEM),
        pl.BlockSpec(memory_space=pltpu.VMEM),
        pl.BlockSpec(memory_space=pl.ANY),
    ],
    out_shape=(
        jax.ShapeDtypeStruct((1, 1), jnp.float32),
        jax.ShapeDtypeStruct((1, 1), jnp.float32),
        jax.ShapeDtypeStruct((1, 1), jnp.float32),
    ),
    scratch_shapes=[
        pltpu.VMEM((TC_ROWS, TC_ROW), jnp.float32),
        pltpu.VMEM((TC_ROWS, TC_ROW), jnp.float32),
        pltpu.SemaphoreType.DMA,
        pltpu.SemaphoreType.DMA,
    ],
)


def _tc2_body(part_ref, nll_ref, ap_ref, l1tc_ref, loss_ref, nll_out_ref):
    nll = nll_ref[0, 0]
    l1 = jnp.sum(part_ref[...]) + l1tc_ref[0, 0]
    loss = nll + (ALPHA / 2.0) * l1 + ap_ref[0, 0]
    loss_ref[...] = loss.reshape(1, 1)
    nll_out_ref[...] = nll.reshape(1, 1)


_tc2_call = pl.pallas_call(
    _tc2_body,
    out_shape=(
        jax.ShapeDtypeStruct((1, 1), jnp.float32),
        jax.ShapeDtypeStruct((1, 1), jnp.float32),
    ),
)


def kernel(logits, labels, params, lengths, attn_weights):
    del lengths
    partials = _l1_partials_kernel()(params)
    nll, ap, l1tc = _tc1_call(
        logits, labels.reshape(B, 1), attn_weights.reshape(B, L), params)
    loss, nll_out = _tc2_call(partials, nll, ap, l1tc)
    return (loss.reshape(()), nll_out.reshape(()))

# --- scband reference (transcript-rebuilt; emitter-appended) ---
"""Pipeline reference for scband-guided-attention-l1-loss-69183333204394 (READ-ONLY COPY).

The authoritative reference and input builder live on the scoring server;
editing this copy changes nothing except your own understanding.
"""

import jax, jax.numpy as jnp
import numpy as np

B = 16
L = 2048
P = 4194304
ALPHA = 1e-4
BETA = 1.0
MAX_STD = 1000.0
MIN_STD = 1.0


def normal_pdf(x, mean, std):
    return jnp.exp(-0.5 * ((x - mean) / std) ** 2) / (std * jnp.sqrt(2.0 * jnp.pi))


def setup_inputs(seed: int = 0) -> dict:
    key = jax.random.key(seed)
    k1, k2, k3, k4 = jax.random.split(key, 4)
    logits = jax.random.normal(k1, (B, 2), dtype=jnp.float32)
    labels = jax.random.randint(k2, (B,), 0, 2, dtype=jnp.int32)
    params = jax.random.normal(k3, (P,), dtype=jnp.float32)
    attn_weights = jax.random.uniform(k4, (B, L), dtype=jnp.float32)
    lengths = jnp.full((B,), L, dtype=jnp.int32)
    return {"logits": logits, "labels": labels, "params": params,
            "lengths": lengths, "attn_weights": attn_weights}


def reference(logits, labels, params, lengths, attn_weights):
    # attn_weights.view(-1) then split into B segments of length L (equal-length ragged batch)
    aw = attn_weights.reshape(-1).reshape(B, L)
    # nll = CrossEntropyLoss(logits, labels), mean reduction
    logp = jax.nn.log_softmax(logits, axis=-1)
    nll = -jnp.mean(jnp.take_along_axis(logp, labels[:, None].astype(jnp.int32), axis=1)[:, 0])
    # --- no_grad block: guided-attention targets rs ---
    aw_sg = jax.lax.stop_gradient(aw)
    x = jnp.arange(1, L + 1, dtype=jnp.float32) / L  # get_x per segment [L]
    sums = jnp.sum(aw_sg, axis=1, keepdims=True)
    means = jnp.sum(x[None, :] * aw_sg, axis=1, keepdims=True) / sums  # calc_mean per segment
    ideal_std = jnp.where(labels.astype(jnp.float32) == 1.0, MIN_STD, MAX_STD)[:, None] / float(L)
    r_hat = normal_pdf(x[None, :], means, ideal_std)
    rs = r_hat / (jnp.sum(r_hat, axis=1, keepdims=True) + 1e-6)
    rs = jax.lax.stop_gradient(rs)
    # --- penalties ---
    penalty = ALPHA / 2.0 * jnp.sum(jnp.abs(params))
    diff = aw - rs
    attn_weights_penalty = BETA / 2.0 * jnp.mean(jnp.mean(diff ** 2, axis=1))
    loss = nll + penalty + attn_weights_penalty
    return (loss, nll)

if __name__ == "__main__":
    import jax
    _d = setup_inputs()
    print(jax.jit(kernel)(*tuple(_d.values())))

</pallas_src>

<mosaic_0001>
#map = affine_map<(d0, d1) -> (0)>
#map1 = affine_map<(d0, d1) -> (0, 0)>
module attributes {stable_mosaic.version = 14 : i64} {
  func.func @_l1_body(%arg0: i32, %arg1: i32, %arg2: memref<4194304xf32, #tpu.memory_space<hbm>>, %arg3: memref<32x16xf32, #tpu.memory_space<hbm>>, %arg4: memref<16384xf32, #tpu.memory_space<vmem>>, %arg5: memref<16384xf32, #tpu.memory_space<vmem>>, %arg6: memref<16xf32, #tpu.memory_space<vmem>>, %arg7: memref<!tpu.dma_semaphore, #tpu.memory_space<semaphore_mem>>, %arg8: memref<!tpu.dma_semaphore, #tpu.memory_space<semaphore_mem>>) attributes {dimension_semantics = [#tpu.dimension_semantics<core_parallel>, #tpu.dimension_semantics<subcore_parallel>], iteration_bounds = array<i64: 2, 16>, scalar_prefetch = 0 : i64, scratch_operands = 5 : i64, tpu.core_type = #tpu.core_type<sc_vector_subcore>, window_params = [{transform_indices = #map}, {transform_indices = #map1}]} {
    %mul3A = arith.constant 2 : i32
    %mul3A_0 = arith.muli %arg1, %mul3A : i32
    %add3A = arith.addi %mul3A_0, %arg0 : i32
    %mul3A_1 = arith.constant 65536 : i32
    %mul3A_2 = arith.muli %add3A, %mul3A_1 : i32
    %dma_start3A = tpu.memref_slice %arg2[%mul3A_2] : memref<4194304xf32, #tpu.memory_space<hbm>> -> memref<16384xf32, #tpu.memory_space<hbm>>
    %dma_start3A_3 = tpu.memref_slice %arg2[%mul3A_2] : memref<4194304xf32, #tpu.memory_space<hbm>> -> memref<16384xf32, #tpu.memory_space<hbm>>
    tpu.enqueue_dma source(%dma_start3A_3 : memref<16384xf32, #tpu.memory_space<hbm>>) target(%arg4 : memref<16384xf32, #tpu.memory_space<vmem>>) target_semaphore(%arg7 : memref<!tpu.dma_semaphore, #tpu.memory_space<semaphore_mem>>)
    %broadcast_in_dim3A = arith.constant 0.000000e+00 : f32
    %broadcast_in_dim3A_4 = vector.broadcast %broadcast_in_dim3A : f32 to vector<16xf32>
    %broadcast_in_dim3A_5 = arith.constant 0.000000e+00 : f32
    %broadcast_in_dim3A_6 = vector.broadcast %broadcast_in_dim3A_5 : f32 to vector<16xf32>
    %broadcast_in_dim3A_7 = arith.constant 0.000000e+00 : f32
    %broadcast_in_dim3A_8 = vector.broadcast %broadcast_in_dim3A_7 : f32 to vector<16xf32>
    %broadcast_in_dim3A_9 = arith.constant 0.000000e+00 : f32
    %broadcast_in_dim3A_10 = vector.broadcast %broadcast_in_dim3A_9 : f32 to vector<16xf32>
    %broadcast_in_dim3A_11 = arith.constant 0.000000e+00 : f32
    %broadcast_in_dim3A_12 = vector.broadcast %broadcast_in_dim3A_11 : f32 to vector<16xf32>
    %broadcast_in_dim3A_13 = arith.constant 0.000000e+00 : f32
    %broadcast_in_dim3A_14 = vector.broadcast %broadcast_in_dim3A_13 : f32 to vector<16xf32>
    %broadcast_in_dim3A_15 = arith.constant 0.000000e+00 : f32
    %broadcast_in_dim3A_16 = vector.broadcast %broadcast_in_dim3A_15 : f32 to vector<16xf32>
    %broadcast_in_dim3A_17 = arith.constant 0.000000e+00 : f32
    %broadcast_in_dim3A_18 = vector.broadcast %broadcast_in_dim3A_17 : f32 to vector<16xf32>
    %add3A_19 = arith.constant 16384 : i32
    %add3A_20 = arith.addi %mul3A_2, %add3A_19 : i32
    %dma_start3A_21 = tpu.memref_slice %arg2[%add3A_20] : memref<4194304xf32, #tpu.memory_space<hbm>> -> memref<16384xf32, #tpu.memory_space<hbm>>
    %dma_start3A_22 = tpu.memref_slice %arg2[%add3A_20] : memref<4194304xf32, #tpu.memory_space<hbm>> -> memref<16384xf32, #tpu.memory_space<hbm>>
    tpu.enqueue_dma source(%dma_start3A_22 : memref<16384xf32, #tpu.memory_space<hbm>>) target(%arg5 : memref<16384xf32, #tpu.memory_space<vmem>>) target_semaphore(%arg8 : memref<!tpu.dma_semaphore, #tpu.memory_space<semaphore_mem>>)
    %dma_wait3A = tpu.memref_slice %arg2[%mul3A_2] : memref<4194304xf32, #tpu.memory_space<hbm>> -> memref<16384xf32, #tpu.memory_space<hbm>>
    %dma_wait3A_23 = tpu.memref_slice %arg2[%mul3A_2] : memref<4194304xf32, #tpu.memory_space<hbm>> -> memref<16384xf32, #tpu.memory_space<hbm>>
    tpu.wait_dma2 semaphore(%arg7 : memref<!tpu.dma_semaphore, #tpu.memory_space<semaphore_mem>>) src(%dma_wait3A_23 : memref<16384xf32, #tpu.memory_space<hbm>>) dst(%arg4 : memref<16384xf32, #tpu.memory_space<vmem>>)
    %scan3A = arith.constant 0 : i32
    %scan3A_24 = arith.constant 128 : i32
    %scan3A_25 = arith.addi %scan3A, %scan3A_24 : i32
    %scan3A_26 = arith.constant 1 : i32
    %scan3A_27:8 = scf.for %scan3A_71 = %scan3A to %scan3A_25 step %scan3A_26 iter_args(%scan3A_72 = %broadcast_in_dim3A_4, %scan3A_73 = %broadcast_in_dim3A_6, %scan3A_74 = %broadcast_in_dim3A_8, %scan3A_75 = %broadcast_in_dim3A_10, %scan3A_76 = %broadcast_in_dim3A_12, %scan3A_77 = %broadcast_in_dim3A_14, %scan3A_78 = %broadcast_in_dim3A_16, %scan3A_79 = %broadcast_in_dim3A_18) -> (vector<16xf32>, vector<16xf32>, vector<16xf32>, vector<16xf32>, vector<16xf32>, vector<16xf32>, vector<16xf32>, vector<16xf32>)  : i32 {
      %mul3A_80 = arith.constant 128 : i32
      %mul3A_81 = arith.muli %scan3A_71, %mul3A_80 : i32
      %add3A_82 = arith.constant 0 : i32
      %add3A_83 = arith.addi %mul3A_81, %add3A_82 : i32
      %get3A = arith.index_cast %add3A_83 : i32 to index
      %get3A_84 = tpu.vector_load %arg4[%get3A] {strides = array<i32>} : memref<16384xf32, #tpu.memory_space<vmem>>, vector<16xf32>,
      %get3A_85 = vector.shape_cast %get3A_84 : vector<16xf32> to vector<16xf32>
      %abs3A = math.absf %get3A_85 : vector<16xf32>
      %add3A_86 = arith.addf %scan3A_72, %abs3A : vector<16xf32>
      %add3A_87 = arith.constant 16 : i32
      %add3A_88 = arith.addi %mul3A_81, %add3A_87 : i32
      %get3A_89 = arith.index_cast %add3A_88 : i32 to index
      %get3A_90 = tpu.vector_load %arg4[%get3A_89] {strides = array<i32>} : memref<16384xf32, #tpu.memory_space<vmem>>, vector<16xf32>,
      %get3A_91 = vector.shape_cast %get3A_90 : vector<16xf32> to vector<16xf32>
      %abs3A_92 = math.absf %get3A_91 : vector<16xf32>
      %add3A_93 = arith.addf %scan3A_73, %abs3A_92 : vector<16xf32>
      %add3A_94 = arith.constant 32 : i32
      %add3A_95 = arith.addi %mul3A_81, %add3A_94 : i32
      %get3A_96 = arith.index_cast %add3A_95 : i32 to index
      %get3A_97 = tpu.vector_load %arg4[%get3A_96] {strides = array<i32>} : memref<16384xf32, #tpu.memory_space<vmem>>, vector<16xf32>,
      %get3A_98 = vector.shape_cast %get3A_97 : vector<16xf32> to vector<16xf32>
      %abs3A_99 = math.absf %get3A_98 : vector<16xf32>
      %add3A_100 = arith.addf %scan3A_74, %abs3A_99 : vector<16xf32>
      %add3A_101 = arith.constant 48 : i32
      %add3A_102 = arith.addi %mul3A_81, %add3A_101 : i32
      %get3A_103 = arith.index_cast %add3A_102 : i32 to index
      %get3A_104 = tpu.vector_load %arg4[%get3A_103] {strides = array<i32>} : memref<16384xf32, #tpu.memory_space<vmem>>, vector<16xf32>,
      %get3A_105 = vector.shape_cast %get3A_104 : vector<16xf32> to vector<16xf32>
      %abs3A_106 = math.absf %get3A_105 : vector<16xf32>
      %add3A_107 = arith.addf %scan3A_75, %abs3A_106 : vector<16xf32>
      %add3A_108 = arith.constant 64 : i32
      %add3A_109 = arith.addi %mul3A_81, %add3A_108 : i32
      %get3A_110 = arith.index_cast %add3A_109 : i32 to index
      %get3A_111 = tpu.vector_load %arg4[%get3A_110] {strides = array<i32>} : memref<16384xf32, #tpu.memory_space<vmem>>, vector<16xf32>,
      %get3A_112 = vector.shape_cast %get3A_111 : vector<16xf32> to vector<16xf32>
      %abs3A_113 = math.absf %get3A_112 : vector<16xf32>
      %add3A_114 = arith.addf %scan3A_76, %abs3A_113 : vector<16xf32>
      %add3A_115 = arith.constant 80 : i32
      %add3A_116 = arith.addi %mul3A_81, %add3A_115 : i32
      %get3A_117 = arith.index_cast %add3A_116 : i32 to index
      %get3A_118 = tpu.vector_load %arg4[%get3A_117] {strides = array<i32>} : memref<16384xf32, #tpu.memory_space<vmem>>, vector<16xf32>,
      %get3A_119 = vector.shape_cast %get3A_118 : vector<16xf32> to vector<16xf32>
      %abs3A_120 = math.absf %get3A_119 : vector<16xf32>
      %add3A_121 = arith.addf %scan3A_77, %abs3A_120 : vector<16xf32>
      %add3A_122 = arith.constant 96 : i32
      %add3A_123 = arith.addi %mul3A_81, %add3A_122 : i32
      %get3A_124 = arith.index_cast %add3A_123 : i32 to index
      %get3A_125 = tpu.vector_load %arg4[%get3A_124] {strides = array<i32>} : memref<16384xf32, #tpu.memory_space<vmem>>, vector<16xf32>,
      %get3A_126 = vector.shape_cast %get3A_125 : vector<16xf32> to vector<16xf32>
      %abs3A_127 = math.absf %get3A_126 : vector<16xf32>
      %add3A_128 = arith.addf %scan3A_78, %abs3A_127 : vector<16xf32>
      %add3A_129 = arith.constant 112 : i32
      %add3A_130 = arith.addi %mul3A_81, %add3A_129 : i32
      %get3A_131 = arith.index_cast %add3A_130 : i32 to index
      %get3A_132 = tpu.vector_load %arg4[%get3A_131] {strides = array<i32>} : memref<16384xf32, #tpu.memory_space<vmem>>, vector<16xf32>,
      %get3A_133 = vector.shape_cast %get3A_132 : vector<16xf32> to vector<16xf32>
      %abs3A_134 = math.absf %get3A_133 : vector<16xf32>
      %add3A_135 = arith.addf %scan3A_79, %abs3A_134 : vector<16xf32>
      scf.yield %add3A_86, %add3A_93, %add3A_100, %add3A_107, %add3A_114, %add3A_121, %add3A_128, %add3A_135 : vector<16xf32>, vector<16xf32>, vector<16xf32>, vector<16xf32>, vector<16xf32>, vector<16xf32>, vector<16xf32>, vector<16xf32>
    }
    %scan3A_28 = arith.constant 128 : i32
    %add3A_29 = arith.constant 32768 : i32
    %add3A_30 = arith.addi %mul3A_2, %add3A_29 : i32
    %dma_start3A_31 = tpu.memref_slice %arg2[%add3A_30] : memref<4194304xf32, #tpu.memory_space<hbm>> -> memref<16384xf32, #tpu.memory_space<hbm>>
    %dma_start3A_32 = tpu.memref_slice %arg2[%add3A_30] : memref<4194304xf32, #tpu.memory_space<hbm>> -> memref<16384xf32, #tpu.memory_space<hbm>>
    tpu.enqueue_dma source(%dma_start3A_32 : memref<16384xf32, #tpu.memory_space<hbm>>) target(%arg4 : memref<16384xf32, #tpu.memory_space<vmem>>) target_semaphore(%arg7 : memref<!tpu.dma_semaphore, #tpu.memory_space<semaphore_mem>>)
    %dma_wait3A_33 = tpu.memref_slice %arg2[%add3A_20] : memref<4194304xf32, #tpu.memory_space<hbm>> -> memref<16384xf32, #tpu.memory_space<hbm>>
    %dma_wait3A_34 = tpu.memref_slice %arg2[%add3A_20] : memref<4194304xf32, #tpu.memory_space<hbm>> -> memref<16384xf32, #tpu.memory_space<hbm>>
    tpu.wait_dma2 semaphore(%arg8 : memref<!tpu.dma_semaphore, #tpu.memory_space<semaphore_mem>>) src(%dma_wait3A_34 : memref<16384xf32, #tpu.memory_space<hbm>>) dst(%arg5 : memref<16384xf32, #tpu.memory_space<vmem>>)
    %scan3A_35 = arith.constant 0 : i32
    %scan3A_36 = arith.constant 128 : i32
    %scan3A_37 = arith.addi %scan3A_35, %scan3A_36 : i32
    %scan3A_38 = arith.constant 1 : i32
    %scan3A_39:8 = scf.for %scan3A_71 = %scan3A_35 to %scan3A_37 step %scan3A_38 iter_args(%scan3A_72 = %scan3A_27#0, %scan3A_73 = %scan3A_27#1, %scan3A_74 = %scan3A_27#2, %scan3A_75 = %scan3A_27#3, %scan3A_76 = %scan3A_27#4, %scan3A_77 = %scan3A_27#5, %scan3A_78 = %scan3A_27#6, %scan3A_79 = %scan3A_27#7) -> (vector<16xf32>, vector<16xf32>, vector<16xf32>, vector<16xf32>, vector<16xf32>, vector<16xf32>, vector<16xf32>, vector<16xf32>)  : i32 {
      %mul3A_80 = arith.constant 128 : i32
      %mul3A_81 = arith.muli %scan3A_71, %mul3A_80 : i32
      %add3A_82 = arith.constant 0 : i32
      %add3A_83 = arith.addi %mul3A_81, %add3A_82 : i32
      %get3A = arith.index_cast %add3A_83 : i32 to index
      %get3A_84 = tpu.vector_load %arg5[%get3A] {strides = array<i32>} : memref<16384xf32, #tpu.memory_space<vmem>>, vector<16xf32>,
      %get3A_85 = vector.shape_cast %get3A_84 : vector<16xf32> to vector<16xf32>
      %abs3A = math.absf %get3A_85 : vector<16xf32>
      %add3A_86 = arith.addf %scan3A_72, %abs3A : vector<16xf32>
      %add3A_87 = arith.constant 16 : i32
      %add3A_88 = arith.addi %mul3A_81, %add3A_87 : i32
      %get3A_89 = arith.index_cast %add3A_88 : i32 to index
      %get3A_90 = tpu.vector_load %arg5[%get3A_89] {strides = array<i32>} : memref<16384xf32, #tpu.memory_space<vmem>>, vector<16xf32>,
      %get3A_91 = vector.shape_cast %get3A_90 : vector<16xf32> to vector<16xf32>
      %abs3A_92 = math.absf %get3A_91 : vector<16xf32>
      %add3A_93 = arith.addf %scan3A_73, %abs3A_92 : vector<16xf32>
      %add3A_94 = arith.constant 32 : i32
      %add3A_95 = arith.addi %mul3A_81, %add3A_94 : i32
      %get3A_96 = arith.index_cast %add3A_95 : i32 to index
      %get3A_97 = tpu.vector_load %arg5[%get3A_96] {strides = array<i32>} : memref<16384xf32, #tpu.memory_space<vmem>>, vector<16xf32>,
      %get3A_98 = vector.shape_cast %get3A_97 : vector<16xf32> to vector<16xf32>
      %abs3A_99 = math.absf %get3A_98 : vector<16xf32>
      %add3A_100 = arith.addf %scan3A_74, %abs3A_99 : vector<16xf32>
      %add3A_101 = arith.constant 48 : i32
      %add3A_102 = arith.addi %mul3A_81, %add3A_101 : i32
      %get3A_103 = arith.index_cast %add3A_102 : i32 to index
      %get3A_104 = tpu.vector_load %arg5[%get3A_103] {strides = array<i32>} : memref<16384xf32, #tpu.memory_space<vmem>>, vector<16xf32>,
      %get3A_105 = vector.shape_cast %get3A_104 : vector<16xf32> to vector<16xf32>
      %abs3A_106 = math.absf %get3A_105 : vector<16xf32>
      %add3A_107 = arith.addf %scan3A_75, %abs3A_106 : vector<16xf32>
      %add3A_108 = arith.constant 64 : i32
      %add3A_109 = arith.addi %mul3A_81, %add3A_108 : i32
      %get3A_110 = arith.index_cast %add3A_109 : i32 to index
      %get3A_111 = tpu.vector_load %arg5[%get3A_110] {strides = array<i32>} : memref<16384xf32, #tpu.memory_space<vmem>>, vector<16xf32>,
      %get3A_112 = vector.shape_cast %get3A_111 : vector<16xf32> to vector<16xf32>
      %abs3A_113 = math.absf %get3A_112 : vector<16xf32>
      %add3A_114 = arith.addf %scan3A_76, %abs3A_113 : vector<16xf32>
      %add3A_115 = arith.constant 80 : i32
      %add3A_116 = arith.addi %mul3A_81, %add3A_115 : i32
      %get3A_117 = arith.index_cast %add3A_116 : i32 to index
      %get3A_118 = tpu.vector_load %arg5[%get3A_117] {strides = array<i32>} : memref<16384xf32, #tpu.memory_space<vmem>>, vector<16xf32>,
      %get3A_119 = vector.shape_cast %get3A_118 : vector<16xf32> to vector<16xf32>
      %abs3A_120 = math.absf %get3A_119 : vector<16xf32>
      %add3A_121 = arith.addf %scan3A_77, %abs3A_120 : vector<16xf32>
      %add3A_122 = arith.constant 96 : i32
      %add3A_123 = arith.addi %mul3A_81, %add3A_122 : i32
      %get3A_124 = arith.index_cast %add3A_123 : i32 to index
      %get3A_125 = tpu.vector_load %arg5[%get3A_124] {strides = array<i32>} : memref<16384xf32, #tpu.memory_space<vmem>>, vector<16xf32>,
      %get3A_126 = vector.shape_cast %get3A_125 : vector<16xf32> to vector<16xf32>
      %abs3A_127 = math.absf %get3A_126 : vector<16xf32>
      %add3A_128 = arith.addf %scan3A_78, %abs3A_127 : vector<16xf32>
      %add3A_129 = arith.constant 112 : i32
      %add3A_130 = arith.addi %mul3A_81, %add3A_129 : i32
      %get3A_131 = arith.index_cast %add3A_130 : i32 to index
      %get3A_132 = tpu.vector_load %arg5[%get3A_131] {strides = array<i32>} : memref<16384xf32, #tpu.memory_space<vmem>>, vector<16xf32>,
      %get3A_133 = vector.shape_cast %get3A_132 : vector<16xf32> to vector<16xf32>
      %abs3A_134 = math.absf %get3A_133 : vector<16xf32>
      %add3A_135 = arith.addf %scan3A_79, %abs3A_134 : vector<16xf32>
      scf.yield %add3A_86, %add3A_93, %add3A_100, %add3A_107, %add3A_114, %add3A_121, %add3A_128, %add3A_135 : vector<16xf32>, vector<16xf32>, vector<16xf32>, vector<16xf32>, vector<16xf32>, vector<16xf32>, vector<16xf32>, vector<16xf32>
    }
    %scan3A_40 = arith.constant 128 : i32
    %add3A_41 = arith.constant 49152 : i32
    %add3A_42 = arith.addi %mul3A_2, %add3A_41 : i32
    %dma_start3A_43 = tpu.memref_slice %arg2[%add3A_42] : memref<4194304xf32, #tpu.memory_space<hbm>> -> memref<16384xf32, #tpu.memory_space<hbm>>
    %dma_start3A_44 = tpu.memref_slice %arg2[%add3A_42] : memref<4194304xf32, #tpu.memory_space<hbm>> -> memref<16384xf32, #tpu.memory_space<hbm>>
    tpu.enqueue_dma source(%dma_start3A_44 : memref<16384xf32, #tpu.memory_space<hbm>>) target(%arg5 : memref<16384xf32, #tpu.memory_space<vmem>>) target_semaphore(%arg8 : memref<!tpu.dma_semaphore, #tpu.memory_space<semaphore_mem>>)
    %dma_wait3A_45 = tpu.memref_slice %arg2[%add3A_30] : memref<4194304xf32, #tpu.memory_space<hbm>> -> memref<16384xf32, #tpu.memory_space<hbm>>
    %dma_wait3A_46 = tpu.memref_slice %arg2[%add3A_30] : memref<4194304xf32, #tpu.memory_space<hbm>> -> memref<16384xf32, #tpu.memory_space<hbm>>
    tpu.wait_dma2 semaphore(%arg7 : memref<!tpu.dma_semaphore, #tpu.memory_space<semaphore_mem>>) src(%dma_wait3A_46 : memref<16384xf32, #tpu.memory_space<hbm>>) dst(%arg4 : memref<16384xf32, #tpu.memory_space<vmem>>)
    %scan3A_47 = arith.constant 0 : i32
    %scan3A_48 = arith.constant 128 : i32
    %scan3A_49 = arith.addi %scan3A_47, %scan3A_48 : i32
    %scan3A_50 = arith.constant 1 : i32
    %scan3A_51:8 = scf.for %scan3A_71 = %scan3A_47 to %scan3A_49 step %scan3A_50 iter_args(%scan3A_72 = %scan3A_39#0, %scan3A_73 = %scan3A_39#1, %scan3A_74 = %scan3A_39#2, %scan3A_75 = %scan3A_39#3, %scan3A_76 = %scan3A_39#4, %scan3A_77 = %scan3A_39#5, %scan3A_78 = %scan3A_39#6, %scan3A_79 = %scan3A_39#7) -> (vector<16xf32>, vector<16xf32>, vector<16xf32>, vector<16xf32>, vector<16xf32>, vector<16xf32>, vector<16xf32>, vector<16xf32>)  : i32 {
      %mul3A_80 = arith.constant 128 : i32
      %mul3A_81 = arith.muli %scan3A_71, %mul3A_80 : i32
      %add3A_82 = arith.constant 0 : i32
      %add3A_83 = arith.addi %mul3A_81, %add3A_82 : i32
      %get3A = arith.index_cast %add3A_83 : i32 to index
      %get3A_84 = tpu.vector_load %arg4[%get3A] {strides = array<i32>} : memref<16384xf32, #tpu.memory_space<vmem>>, vector<16xf32>,
      %get3A_85 = vector.shape_cast %get3A_84 : vector<16xf32> to vector<16xf32>
      %abs3A = math.absf %get3A_85 : vector<16xf32>
      %add3A_86 = arith.addf %scan3A_72, %abs3A : vector<16xf32>
      %add3A_87 = arith.constant 16 : i32
      %add3A_88 = arith.addi %mul3A_81, %add3A_87 : i32
      %get3A_89 = arith.index_cast %add3A_88 : i32 to index
      %get3A_90 = tpu.vector_load %arg4[%get3A_89] {strides = array<i32>} : memref<16384xf32, #tpu.memory_space<vmem>>, vector<16xf32>,
      %get3A_91 = vector.shape_cast %get3A_90 : vector<16xf32> to vector<16xf32>
      %abs3A_92 = math.absf %get3A_91 : vector<16xf32>
      %add3A_93 = arith.addf %scan3A_73, %abs3A_92 : vector<16xf32>
      %add3A_94 = arith.constant 32 : i32
      %add3A_95 = arith.addi %mul3A_81, %add3A_94 : i32
      %get3A_96 = arith.index_cast %add3A_95 : i32 to index
      %get3A_97 = tpu.vector_load %arg4[%get3A_96] {strides = array<i32>} : memref<16384xf32, #tpu.memory_space<vmem>>, vector<16xf32>,
      %get3A_98 = vector.shape_cast %get3A_97 : vector<16xf32> to vector<16xf32>
      %abs3A_99 = math.absf %get3A_98 : vector<16xf32>
      %add3A_100 = arith.addf %scan3A_74, %abs3A_99 : vector<16xf32>
      %add3A_101 = arith.constant 48 : i32
      %add3A_102 = arith.addi %mul3A_81, %add3A_101 : i32
      %get3A_103 = arith.index_cast %add3A_102 : i32 to index
      %get3A_104 = tpu.vector_load %arg4[%get3A_103] {strides = array<i32>} : memref<16384xf32, #tpu.memory_space<vmem>>, vector<16xf32>,
      %get3A_105 = vector.shape_cast %get3A_104 : vector<16xf32> to vector<16xf32>
      %abs3A_106 = math.absf %get3A_105 : vector<16xf32>
      %add3A_107 = arith.addf %scan3A_75, %abs3A_106 : vector<16xf32>
      %add3A_108 = arith.constant 64 : i32
      %add3A_109 = arith.addi %mul3A_81, %add3A_108 : i32
      %get3A_110 = arith.index_cast %add3A_109 : i32 to index
      %get3A_111 = tpu.vector_load %arg4[%get3A_110] {strides = array<i32>} : memref<16384xf32, #tpu.memory_space<vmem>>, vector<16xf32>,
      %get3A_112 = vector.shape_cast %get3A_111 : vector<16xf32> to vector<16xf32>
      %abs3A_113 = math.absf %get3A_112 : vector<16xf32>
      %add3A_114 = arith.addf %scan3A_76, %abs3A_113 : vector<16xf32>
      %add3A_115 = arith.constant 80 : i32
      %add3A_116 = arith.addi %mul3A_81, %add3A_115 : i32
      %get3A_117 = arith.index_cast %add3A_116 : i32 to index
      %get3A_118 = tpu.vector_load %arg4[%get3A_117] {strides = array<i32>} : memref<16384xf32, #tpu.memory_space<vmem>>, vector<16xf32>,
      %get3A_119 = vector.shape_cast %get3A_118 : vector<16xf32> to vector<16xf32>
      %abs3A_120 = math.absf %get3A_119 : vector<16xf32>
      %add3A_121 = arith.addf %scan3A_77, %abs3A_120 : vector<16xf32>
      %add3A_122 = arith.constant 96 : i32
      %add3A_123 = arith.addi %mul3A_81, %add3A_122 : i32
      %get3A_124 = arith.index_cast %add3A_123 : i32 to index
      %get3A_125 = tpu.vector_load %arg4[%get3A_124] {strides = array<i32>} : memref<16384xf32, #tpu.memory_space<vmem>>, vector<16xf32>,
      %get3A_126 = vector.shape_cast %get3A_125 : vector<16xf32> to vector<16xf32>
      %abs3A_127 = math.absf %get3A_126 : vector<16xf32>
      %add3A_128 = arith.addf %scan3A_78, %abs3A_127 : vector<16xf32>
      %add3A_129 = arith.constant 112 : i32
      %add3A_130 = arith.addi %mul3A_81, %add3A_129 : i32
      %get3A_131 = arith.index_cast %add3A_130 : i32 to index
      %get3A_132 = tpu.vector_load %arg4[%get3A_131] {strides = array<i32>} : memref<16384xf32, #tpu.memory_space<vmem>>, vector<16xf32>,
      %get3A_133 = vector.shape_cast %get3A_132 : vector<16xf32> to vector<16xf32>
      %abs3A_134 = math.absf %get3A_133 : vector<16xf32>
      %add3A_135 = arith.addf %scan3A_79, %abs3A_134 : vector<16xf32>
      scf.yield %add3A_86, %add3A_93, %add3A_100, %add3A_107, %add3A_114, %add3A_121, %add3A_128, %add3A_135 : vector<16xf32>, vector<16xf32>, vector<16xf32>, vector<16xf32>, vector<16xf32>, vector<16xf32>, vector<16xf32>, vector<16xf32>
    }
    %scan3A_52 = arith.constant 128 : i32
    %dma_wait3A_53 = tpu.memref_slice %arg2[%add3A_42] : memref<4194304xf32, #tpu.memory_space<hbm>> -> memref<16384xf32, #tpu.memory_space<hbm>>
    %dma_wait3A_54 = tpu.memref_slice %arg2[%add3A_42] : memref<4194304xf32, #tpu.memory_space<hbm>> -> memref<16384xf32, #tpu.memory_space<hbm>>
    tpu.wait_dma2 semaphore(%arg8 : memref<!tpu.dma_semaphore, #tpu.memory_space<semaphore_mem>>) src(%dma_wait3A_54 : memref<16384xf32, #tpu.memory_space<hbm>>) dst(%arg5 : memref<16384xf32, #tpu.memory_space<vmem>>)
    %scan3A_55 = arith.constant 0 : i32
    %scan3A_56 = arith.constant 128 : i32
    %scan3A_57 = arith.addi %scan3A_55, %scan3A_56 : i32
    %scan3A_58 = arith.constant 1 : i32
    %scan3A_59:8 = scf.for %scan3A_71 = %scan3A_55 to %scan3A_57 step %scan3A_58 iter_args(%scan3A_72 = %scan3A_51#0, %scan3A_73 = %scan3A_51#1, %scan3A_74 = %scan3A_51#2, %scan3A_75 = %scan3A_51#3, %scan3A_76 = %scan3A_51#4, %scan3A_77 = %scan3A_51#5, %scan3A_78 = %scan3A_51#6, %scan3A_79 = %scan3A_51#7) -> (vector<16xf32>, vector<16xf32>, vector<16xf32>, vector<16xf32>, vector<16xf32>, vector<16xf32>, vector<16xf32>, vector<16xf32>)  : i32 {
      %mul3A_80 = arith.constant 128 : i32
      %mul3A_81 = arith.muli %scan3A_71, %mul3A_80 : i32
      %add3A_82 = arith.constant 0 : i32
      %add3A_83 = arith.addi %mul3A_81, %add3A_82 : i32
      %get3A = arith.index_cast %add3A_83 : i32 to index
      %get3A_84 = tpu.vector_load %arg5[%get3A] {strides = array<i32>} : memref<16384xf32, #tpu.memory_space<vmem>>, vector<16xf32>,
      %get3A_85 = vector.shape_cast %get3A_84 : vector<16xf32> to vector<16xf32>
      %abs3A = math.absf %get3A_85 : vector<16xf32>
      %add3A_86 = arith.addf %scan3A_72, %abs3A : vector<16xf32>
      %add3A_87 = arith.constant 16 : i32
      %add3A_88 = arith.addi %mul3A_81, %add3A_87 : i32
      %get3A_89 = arith.index_cast %add3A_88 : i32 to index
      %get3A_90 = tpu.vector_load %arg5[%get3A_89] {strides = array<i32>} : memref<16384xf32, #tpu.memory_space<vmem>>, vector<16xf32>,
      %get3A_91 = vector.shape_cast %get3A_90 : vector<16xf32> to vector<16xf32>
      %abs3A_92 = math.absf %get3A_91 : vector<16xf32>
      %add3A_93 = arith.addf %scan3A_73, %abs3A_92 : vector<16xf32>
      %add3A_94 = arith.constant 32 : i32
      %add3A_95 = arith.addi %mul3A_81, %add3A_94 : i32
      %get3A_96 = arith.index_cast %add3A_95 : i32 to index
      %get3A_97 = tpu.vector_load %arg5[%get3A_96] {strides = array<i32>} : memref<16384xf32, #tpu.memory_space<vmem>>, vector<16xf32>,
      %get3A_98 = vector.shape_cast %get3A_97 : vector<16xf32> to vector<16xf32>
      %abs3A_99 = math.absf %get3A_98 : vector<16xf32>
      %add3A_100 = arith.addf %scan3A_74, %abs3A_99 : vector<16xf32>
      %add3A_101 = arith.constant 48 : i32
      %add3A_102 = arith.addi %mul3A_81, %add3A_101 : i32
      %get3A_103 = arith.index_cast %add3A_102 : i32 to index
      %get3A_104 = tpu.vector_load %arg5[%get3A_103] {strides = array<i32>} : memref<16384xf32, #tpu.memory_space<vmem>>, vector<16xf32>,
      %get3A_105 = vector.shape_cast %get3A_104 : vector<16xf32> to vector<16xf32>
      %abs3A_106 = math.absf %get3A_105 : vector<16xf32>
      %add3A_107 = arith.addf %scan3A_75, %abs3A_106 : vector<16xf32>
      %add3A_108 = arith.constant 64 : i32
      %add3A_109 = arith.addi %mul3A_81, %add3A_108 : i32
      %get3A_110 = arith.index_cast %add3A_109 : i32 to index
      %get3A_111 = tpu.vector_load %arg5[%get3A_110] {strides = array<i32>} : memref<16384xf32, #tpu.memory_space<vmem>>, vector<16xf32>,
      %get3A_112 = vector.shape_cast %get3A_111 : vector<16xf32> to vector<16xf32>
      %abs3A_113 = math.absf %get3A_112 : vector<16xf32>
      %add3A_114 = arith.addf %scan3A_76, %abs3A_113 : vector<16xf32>
      %add3A_115 = arith.constant 80 : i32
      %add3A_116 = arith.addi %mul3A_81, %add3A_115 : i32
      %get3A_117 = arith.index_cast %add3A_116 : i32 to index
      %get3A_118 = tpu.vector_load %arg5[%get3A_117] {strides = array<i32>} : memref<16384xf32, #tpu.memory_space<vmem>>, vector<16xf32>,
      %get3A_119 = vector.shape_cast %get3A_118 : vector<16xf32> to vector<16xf32>
      %abs3A_120 = math.absf %get3A_119 : vector<16xf32>
      %add3A_121 = arith.addf %scan3A_77, %abs3A_120 : vector<16xf32>
      %add3A_122 = arith.constant 96 : i32
      %add3A_123 = arith.addi %mul3A_81, %add3A_122 : i32
      %get3A_124 = arith.index_cast %add3A_123 : i32 to index
      %get3A_125 = tpu.vector_load %arg5[%get3A_124] {strides = array<i32>} : memref<16384xf32, #tpu.memory_space<vmem>>, vector<16xf32>,
      %get3A_126 = vector.shape_cast %get3A_125 : vector<16xf32> to vector<16xf32>
      %abs3A_127 = math.absf %get3A_126 : vector<16xf32>
      %add3A_128 = arith.addf %scan3A_78, %abs3A_127 : vector<16xf32>
      %add3A_129 = arith.constant 112 : i32
      %add3A_130 = arith.addi %mul3A_81, %add3A_129 : i32
      %get3A_131 = arith.index_cast %add3A_130 : i32 to index
      %get3A_132 = tpu.vector_load %arg5[%get3A_131] {strides = array<i32>} : memref<16384xf32, #tpu.memory_space<vmem>>, vector<16xf32>,
      %get3A_133 = vector.shape_cast %get3A_132 : vector<16xf32> to vector<16xf32>
      %abs3A_134 = math.absf %get3A_133 : vector<16xf32>
      %add3A_135 = arith.addf %scan3A_79, %abs3A_134 : vector<16xf32>
      scf.yield %add3A_86, %add3A_93, %add3A_100, %add3A_107, %add3A_114, %add3A_121, %add3A_128, %add3A_135 : vector<16xf32>, vector<16xf32>, vector<16xf32>, vector<16xf32>, vector<16xf32>, vector<16xf32>, vector<16xf32>, vector<16xf32>
    }
    %scan3A_60 = arith.constant 128 : i32
    %add3A_61 = arith.addf %scan3A_59#0, %scan3A_59#1 : vector<16xf32>
    %add3A_62 = arith.addf %add3A_61, %scan3A_59#2 : vector<16xf32>
    %add3A_63 = arith.addf %add3A_62, %scan3A_59#3 : vector<16xf32>
    %add3A_64 = arith.addf %add3A_63, %scan3A_59#4 : vector<16xf32>
    %add3A_65 = arith.addf %add3A_64, %scan3A_59#5 : vector<16xf32>
    %add3A_66 = arith.addf %add3A_65, %scan3A_59#6 : vector<16xf32>
    %add3A_67 = arith.addf %add3A_66, %scan3A_59#7 : vector<16xf32>
    %swap3A = arith.constant 0 : index
    %swap3A_68 = tpu.vector_load %arg6[%swap3A] {strides = array<i32>} : memref<16xf32, #tpu.memory_space<vmem>>, vector<16xf32>,
    %swap3A_69 = vector.shape_cast %swap3A_68 : vector<16xf32> to vector<16xf32>
    %swap3A_70 = vector.shape_cast %add3A_67 : vector<16xf32> to vector<16xf32>
    tpu.vector_store %arg6[%swap3A], %swap3A_70 {strides = array<i32>} : memref<16xf32, #tpu.memory_space<vmem>>, vector<16xf32>,
    "tpu.region"() ({
      %run_scoped3A = tpu.sem_alloc : memref<!tpu.dma_semaphore, #tpu.memory_space<semaphore_mem>>
      %dma_start3A_71 = arith.constant 0 : i32
      %dma_start3A_72 = tpu.memref_slice %arg3[%add3A, %dma_start3A_71] : memref<32x16xf32, #tpu.memory_space<hbm>> -> memref<1x16xf32, #tpu.memory_space<hbm>>
      %dma_start3A_73 = tpu.memref_squeeze %dma_start3A_72 : memref<1x16xf32, #tpu.memory_space<hbm>> -> memref<16xf32, #tpu.memory_space<hbm>>
      %dma_start3A_74 = arith.constant 0 : i32
      %dma_start3A_75 = tpu.memref_slice %arg3[%add3A, %dma_start3A_74] : memref<32x16xf32, #tpu.memory_space<hbm>> -> memref<1x16xf32, #tpu.memory_space<hbm>>
      %dma_start3A_76 = tpu.memref_squeeze %dma_start3A_75 : memref<1x16xf32, #tpu.memory_space<hbm>> -> memref<16xf32, #tpu.memory_space<hbm>>
      tpu.enqueue_dma source(%arg6 : memref<16xf32, #tpu.memory_space<vmem>>) target(%dma_start3A_76 : memref<16xf32, #tpu.memory_space<hbm>>) target_semaphore(%run_scoped3A : memref<!tpu.dma_semaphore, #tpu.memory_space<semaphore_mem>>)
      %dma_wait3A_77 = arith.constant 0 : i32
      %dma_wait3A_78 = tpu.memref_slice %arg3[%add3A, %dma_wait3A_77] : memref<32x16xf32, #tpu.memory_space<hbm>> -> memref<1x16xf32, #tpu.memory_space<hbm>>
      %dma_wait3A_79 = tpu.memref_squeeze %dma_wait3A_78 : memref<1x16xf32, #tpu.memory_space<hbm>> -> memref<16xf32, #tpu.memory_space<hbm>>
      %dma_wait3A_80 = arith.constant 0 : i32
      %dma_wait3A_81 = tpu.memref_slice %arg3[%add3A, %dma_wait3A_80] : memref<32x16xf32, #tpu.memory_space<hbm>> -> memref<1x16xf32, #tpu.memory_space<hbm>>
      %dma_wait3A_82 = tpu.memref_squeeze %dma_wait3A_81 : memref<1x16xf32, #tpu.memory_space<hbm>> -> memref<16xf32, #tpu.memory_space<hbm>>
      tpu.wait_dma2 semaphore(%run_scoped3A : memref<!tpu.dma_semaphore, #tpu.memory_space<semaphore_mem>>) src(%arg6 : memref<16xf32, #tpu.memory_space<vmem>>) dst(%dma_wait3A_82 : memref<16xf32, #tpu.memory_space<hbm>>)
      tpu.yield
    }) : () -> ()
    return
  }
}

module attributes {stable_mosaic.version = 14 : i64} {
  func.func @_tc2_body(%arg0: memref<32x16xf32, #tpu.memory_space<vmem>>, %arg1: memref<1x1xf32, #tpu.memory_space<vmem>>, %arg2: memref<1x1xf32, #tpu.memory_space<vmem>>, %arg3: memref<1x1xf32, #tpu.memory_space<vmem>>, %arg4: memref<1x1xf32, #tpu.memory_space<vmem>>, %arg5: memref<1x1xf32, #tpu.memory_space<vmem>>) attributes {dimension_semantics = [], scalar_prefetch = 0 : i64, scratch_operands = 0 : i64, tpu.core_type = #tpu.core_type<tc>} {
    %get3A = arith.constant 0 : index
    %get3A_0 = arith.constant 0 : index
    %get3A_1 = vector.load %arg1[%get3A, %get3A_0] : memref<1x1xf32, #tpu.memory_space<vmem>>, vector<1x1xf32>
    %get3A_2 = vector.extract %get3A_1[0, 0] : f32 from vector<1x1xf32>
    %get3A_3 = arith.constant 0 : index
    %get3A_4 = arith.constant 0 : index
    %get3A_5 = vector.load %arg0[%get3A_3, %get3A_4] : memref<32x16xf32, #tpu.memory_space<vmem>>, vector<32x16xf32>
    %reduce_sum3A = vector.shape_cast %get3A_5 : vector<32x16xf32> to vector<1x32x16xf32>
    %reduce_sum3A_6 = arith.constant dense<0.000000e+00> : vector<1xf32>
    %reduce_sum3A_7 = vector.multi_reduction <add>, %reduce_sum3A, %reduce_sum3A_6 [1, 2] : vector<1x32x16xf32> to vector<1xf32>
    %reduce_sum3A_8 = vector.shape_cast %reduce_sum3A_7 : vector<1xf32> to vector<1x1x1xf32>
    %reduce_sum3A_9 = vector.extract %reduce_sum3A_8[0, 0, 0] : f32 from vector<1x1x1xf32>
    %get3A_10 = arith.constant 0 : index
    %get3A_11 = arith.constant 0 : index
    %get3A_12 = vector.load %arg3[%get3A_10, %get3A_11] : memref<1x1xf32, #tpu.memory_space<vmem>>, vector<1x1xf32>
    %get3A_13 = vector.extract %get3A_12[0, 0] : f32 from vector<1x1xf32>
    %add3A = arith.addf %reduce_sum3A_9, %get3A_13 : f32
    %mul3A = arith.constant 5.000000e-05 : f32
    %mul3A_14 = arith.mulf %mul3A, %add3A : f32
    %add3A_15 = arith.addf %get3A_2, %mul3A_14 : f32
    %get3A_16 = arith.constant 0 : index
    %get3A_17 = arith.constant 0 : index
    %get3A_18 = vector.load %arg2[%get3A_16, %get3A_17] : memref<1x1xf32, #tpu.memory_space<vmem>>, vector<1x1xf32>
    %get3A_19 = vector.extract %get3A_18[0, 0] : f32 from vector<1x1xf32>
    %add3A_20 = arith.addf %add3A_15, %get3A_19 : f32
    %reshape3A = vector.broadcast %add3A_20 : f32 to vector<1x1xf32>
    %swap3A = arith.constant 0 : index
    %swap3A_21 = arith.constant 0 : index
    %swap3A_22 = vector.load %arg4[%swap3A, %swap3A_21] : memref<1x1xf32, #tpu.memory_space<vmem>>, vector<1x1xf32>
    tpu.vector_store %arg4[%swap3A, %swap3A_21], %reshape3A {strides = array<i32>} : memref<1x1xf32, #tpu.memory_space<vmem>>, vector<1x1xf32>,
    %reshape3A_23 = vector.broadcast %get3A_2 : f32 to vector<1x1xf32>
    %swap3A_24 = arith.constant 0 : index
    %swap3A_25 = arith.constant 0 : index
    %swap3A_26 = vector.load %arg5[%swap3A_24, %swap3A_25] : memref<1x1xf32, #tpu.memory_space<vmem>>, vector<1x1xf32>
    tpu.vector_store %arg5[%swap3A_24, %swap3A_25], %reshape3A_23 {strides = array<i32>} : memref<1x1xf32, #tpu.memory_space<vmem>>, vector<1x1xf32>,
    return
  }
}

module attributes {stable_mosaic.version = 14 : i64} {
  func.func @_tc1_body(%arg0: memref<16x2xf32, #tpu.memory_space<vmem>>, %arg1: memref<16x1xi32, #tpu.memory_space<vmem>>, %arg2: memref<16x2048xf32, #tpu.memory_space<vmem>>, %arg3: memref<4194304xf32, #tpu.memory_space<any>>, %arg4: memref<1x1xf32, #tpu.memory_space<vmem>>, %arg5: memref<1x1xf32, #tpu.memory_space<vmem>>, %arg6: memref<1x1xf32, #tpu.memory_space<vmem>>, %arg7: memref<8x65536xf32, #tpu.memory_space<vmem>>, %arg8: memref<8x65536xf32, #tpu.memory_space<vmem>>, %arg9: memref<!tpu.dma_semaphore, #tpu.memory_space<semaphore_mem>>, %arg10: memref<!tpu.dma_semaphore, #tpu.memory_space<semaphore_mem>>) attributes {dimension_semantics = [], scalar_prefetch = 0 : i64, scratch_operands = 4 : i64, tpu.core_type = #tpu.core_type<tc>} {
    %dma_start3A = arith.constant 0 : i32
    %dma_start3A_0 = arith.constant 0 : i32
    %dma_start3A_1 = tpu.memref_slice %arg7[%dma_start3A, %dma_start3A_0] : memref<8x65536xf32, #tpu.memory_space<vmem>> -> memref<1x65536xf32, #tpu.memory_space<vmem>>
    %dma_start3A_2 = tpu.memref_squeeze %dma_start3A_1 : memref<1x65536xf32, #tpu.memory_space<vmem>> -> memref<65536xf32, #tpu.memory_space<vmem>>
    %dma_start3A_3 = arith.constant 2097152 : i32
    %dma_start3A_4 = tpu.memref_slice %arg3[%dma_start3A_3] : memref<4194304xf32, #tpu.memory_space<any>> -> memref<65536xf32, #tpu.memory_space<any>>
    tpu.enqueue_dma source(%dma_start3A_4 : memref<65536xf32, #tpu.memory_space<any>>) target(%dma_start3A_2 : memref<65536xf32, #tpu.memory_space<vmem>>) target_semaphore(%arg9 : memref<!tpu.dma_semaphore, #tpu.memory_space<semaphore_mem>>)
    %dma_start3A_5 = arith.constant 1 : i32
    %dma_start3A_6 = arith.constant 0 : i32
    %dma_start3A_7 = tpu.memref_slice %arg7[%dma_start3A_5, %dma_start3A_6] : memref<8x65536xf32, #tpu.memory_space<vmem>> -> memref<1x65536xf32, #tpu.memory_space<vmem>>
    %dma_start3A_8 = tpu.memref_squeeze %dma_start3A_7 : memref<1x65536xf32, #tpu.memory_space<vmem>> -> memref<65536xf32, #tpu.memory_space<vmem>>
    %dma_start3A_9 = arith.constant 2162688 : i32
    %dma_start3A_10 = tpu.memref_slice %arg3[%dma_start3A_9] : memref<4194304xf32, #tpu.memory_space<any>> -> memref<65536xf32, #tpu.memory_space<any>>
    tpu.enqueue_dma source(%dma_start3A_10 : memref<65536xf32, #tpu.memory_space<any>>) target(%dma_start3A_8 : memref<65536xf32, #tpu.memory_space<vmem>>) target_semaphore(%arg9 : memref<!tpu.dma_semaphore, #tpu.memory_space<semaphore_mem>>)
    %dma_start3A_11 = arith.constant 2 : i32
    %dma_start3A_12 = arith.constant 0 : i32
    %dma_start3A_13 = tpu.memref_slice %arg7[%dma_start3A_11, %dma_start3A_12] : memref<8x65536xf32, #tpu.memory_space<vmem>> -> memref<1x65536xf32, #tpu.memory_space<vmem>>
    %dma_start3A_14 = tpu.memref_squeeze %dma_start3A_13 : memref<1x65536xf32, #tpu.memory_space<vmem>> -> memref<65536xf32, #tpu.memory_space<vmem>>
    %dma_start3A_15 = arith.constant 2228224 : i32
    %dma_start3A_16 = tpu.memref_slice %arg3[%dma_start3A_15] : memref<4194304xf32, #tpu.memory_space<any>> -> memref<65536xf32, #tpu.memory_space<any>>
    tpu.enqueue_dma source(%dma_start3A_16 : memref<65536xf32, #tpu.memory_space<any>>) target(%dma_start3A_14 : memref<65536xf32, #tpu.memory_space<vmem>>) target_semaphore(%arg9 : memref<!tpu.dma_semaphore, #tpu.memory_space<semaphore_mem>>)
    %dma_start3A_17 = arith.constant 3 : i32
    %dma_start3A_18 = arith.constant 0 : i32
    %dma_start3A_19 = tpu.memref_slice %arg7[%dma_start3A_17, %dma_start3A_18] : memref<8x65536xf32, #tpu.memory_space<vmem>> -> memref<1x65536xf32, #tpu.memory_space<vmem>>
    %dma_start3A_20 = tpu.memref_squeeze %dma_start3A_19 : memref<1x65536xf32, #tpu.memory_space<vmem>> -> memref<65536xf32, #tpu.memory_space<vmem>>
    %dma_start3A_21 = arith.constant 2293760 : i32
    %dma_start3A_22 = tpu.memref_slice %arg3[%dma_start3A_21] : memref<4194304xf32, #tpu.memory_space<any>> -> memref<65536xf32, #tpu.memory_space<any>>
    tpu.enqueue_dma source(%dma_start3A_22 : memref<65536xf32, #tpu.memory_space<any>>) target(%dma_start3A_20 : memref<65536xf32, #tpu.memory_space<vmem>>) target_semaphore(%arg9 : memref<!tpu.dma_semaphore, #tpu.memory_space<semaphore_mem>>)
    %dma_start3A_23 = arith.constant 4 : i32
    %dma_start3A_24 = arith.constant 0 : i32
    %dma_start3A_25 = tpu.memref_slice %arg7[%dma_start3A_23, %dma_start3A_24] : memref<8x65536xf32, #tpu.memory_space<vmem>> -> memref<1x65536xf32, #tpu.memory_space<vmem>>
    %dma_start3A_26 = tpu.memref_squeeze %dma_start3A_25 : memref<1x65536xf32, #tpu.memory_space<vmem>> -> memref<65536xf32, #tpu.memory_space<vmem>>
    %dma_start3A_27 = arith.constant 2359296 : i32
    %dma_start3A_28 = tpu.memref_slice %arg3[%dma_start3A_27] : memref<4194304xf32, #tpu.memory_space<any>> -> memref<65536xf32, #tpu.memory_space<any>>
    tpu.enqueue_dma source(%dma_start3A_28 : memref<65536xf32, #tpu.memory_space<any>>) target(%dma_start3A_26 : memref<65536xf32, #tpu.memory_space<vmem>>) target_semaphore(%arg9 : memref<!tpu.dma_semaphore, #tpu.memory_space<semaphore_mem>>)
    %dma_start3A_29 = arith.constant 5 : i32
    %dma_start3A_30 = arith.constant 0 : i32
    %dma_start3A_31 = tpu.memref_slice %arg7[%dma_start3A_29, %dma_start3A_30] : memref<8x65536xf32, #tpu.memory_space<vmem>> -> memref<1x65536xf32, #tpu.memory_space<vmem>>
    %dma_start3A_32 = tpu.memref_squeeze %dma_start3A_31 : memref<1x65536xf32, #tpu.memory_space<vmem>> -> memref<65536xf32, #tpu.memory_space<vmem>>
    %dma_start3A_33 = arith.constant 2424832 : i32
    %dma_start3A_34 = tpu.memref_slice %arg3[%dma_start3A_33] : memref<4194304xf32, #tpu.memory_space<any>> -> memref<65536xf32, #tpu.memory_space<any>>
    tpu.enqueue_dma source(%dma_start3A_34 : memref<65536xf32, #tpu.memory_space<any>>) target(%dma_start3A_32 : memref<65536xf32, #tpu.memory_space<vmem>>) target_semaphore(%arg9 : memref<!tpu.dma_semaphore, #tpu.memory_space<semaphore_mem>>)
    %dma_start3A_35 = arith.constant 6 : i32
    %dma_start3A_36 = arith.constant 0 : i32
    %dma_start3A_37 = tpu.memref_slice %arg7[%dma_start3A_35, %dma_start3A_36] : memref<8x65536xf32, #tpu.memory_space<vmem>> -> memref<1x65536xf32, #tpu.memory_space<vmem>>
    %dma_start3A_38 = tpu.memref_squeeze %dma_start3A_37 : memref<1x65536xf32, #tpu.memory_space<vmem>> -> memref<65536xf32, #tpu.memory_space<vmem>>
    %dma_start3A_39 = arith.constant 2490368 : i32
    %dma_start3A_40 = tpu.memref_slice %arg3[%dma_start3A_39] : memref<4194304xf32, #tpu.memory_space<any>> -> memref<65536xf32, #tpu.memory_space<any>>
    tpu.enqueue_dma source(%dma_start3A_40 : memref<65536xf32, #tpu.memory_space<any>>) target(%dma_start3A_38 : memref<65536xf32, #tpu.memory_space<vmem>>) target_semaphore(%arg9 : memref<!tpu.dma_semaphore, #tpu.memory_space<semaphore_mem>>)
    %dma_start3A_41 = arith.constant 7 : i32
    %dma_start3A_42 = arith.constant 0 : i32
    %dma_start3A_43 = tpu.memref_slice %arg7[%dma_start3A_41, %dma_start3A_42] : memref<8x65536xf32, #tpu.memory_space<vmem>> -> memref<1x65536xf32, #tpu.memory_space<vmem>>
    %dma_start3A_44 = tpu.memref_squeeze %dma_start3A_43 : memref<1x65536xf32, #tpu.memory_space<vmem>> -> memref<65536xf32, #tpu.memory_space<vmem>>
    %dma_start3A_45 = arith.constant 2555904 : i32
    %dma_start3A_46 = tpu.memref_slice %arg3[%dma_start3A_45] : memref<4194304xf32, #tpu.memory_space<any>> -> memref<65536xf32, #tpu.memory_space<any>>
    tpu.enqueue_dma source(%dma_start3A_46 : memref<65536xf32, #tpu.memory_space<any>>) target(%dma_start3A_44 : memref<65536xf32, #tpu.memory_space<vmem>>) target_semaphore(%arg9 : memref<!tpu.dma_semaphore, #tpu.memory_space<semaphore_mem>>)
    %dma_start3A_47 = arith.constant 0 : i32
    %dma_start3A_48 = arith.constant 0 : i32
    %dma_start3A_49 = tpu.memref_slice %arg8[%dma_start3A_47, %dma_start3A_48] : memref<8x65536xf32, #tpu.memory_space<vmem>> -> memref<1x65536xf32, #tpu.memory_space<vmem>>
    %dma_start3A_50 = tpu.memref_squeeze %dma_start3A_49 : memref<1x65536xf32, #tpu.memory_space<vmem>> -> memref<65536xf32, #tpu.memory_space<vmem>>
    %dma_start3A_51 = arith.constant 2621440 : i32
    %dma_start3A_52 = tpu.memref_slice %arg3[%dma_start3A_51] : memref<4194304xf32, #tpu.memory_space<any>> -> memref<65536xf32, #tpu.memory_space<any>>
    tpu.enqueue_dma source(%dma_start3A_52 : memref<65536xf32, #tpu.memory_space<any>>) target(%dma_start3A_50 : memref<65536xf32, #tpu.memory_space<vmem>>) target_semaphore(%arg10 : memref<!tpu.dma_semaphore, #tpu.memory_space<semaphore_mem>>)
    %dma_start3A_53 = arith.constant 1 : i32
    %dma_start3A_54 = arith.constant 0 : i32
    %dma_start3A_55 = tpu.memref_slice %arg8[%dma_start3A_53, %dma_start3A_54] : memref<8x65536xf32, #tpu.memory_space<vmem>> -> memref<1x65536xf32, #tpu.memory_space<vmem>>
    %dma_start3A_56 = tpu.memref_squeeze %dma_start3A_55 : memref<1x65536xf32, #tpu.memory_space<vmem>> -> memref<65536xf32, #tpu.memory_space<vmem>>
    %dma_start3A_57 = arith.constant 2686976 : i32
    %dma_start3A_58 = tpu.memref_slice %arg3[%dma_start3A_57] : memref<4194304xf32, #tpu.memory_space<any>> -> memref<65536xf32, #tpu.memory_space<any>>
    tpu.enqueue_dma source(%dma_start3A_58 : memref<65536xf32, #tpu.memory_space<any>>) target(%dma_start3A_56 : memref<65536xf32, #tpu.memory_space<vmem>>) target_semaphore(%arg10 : memref<!tpu.dma_semaphore, #tpu.memory_space<semaphore_mem>>)
    %dma_start3A_59 = arith.constant 2 : i32
    %dma_start3A_60 = arith.constant 0 : i32
    %dma_start3A_61 = tpu.memref_slice %arg8[%dma_start3A_59, %dma_start3A_60] : memref<8x65536xf32, #tpu.memory_space<vmem>> -> memref<1x65536xf32, #tpu.memory_space<vmem>>
    %dma_start3A_62 = tpu.memref_squeeze %dma_start3A_61 : memref<1x65536xf32, #tpu.memory_space<vmem>> -> memref<65536xf32, #tpu.memory_space<vmem>>
    %dma_start3A_63 = arith.constant 2752512 : i32
    %dma_start3A_64 = tpu.memref_slice %arg3[%dma_start3A_63] : memref<4194304xf32, #tpu.memory_space<any>> -> memref<65536xf32, #tpu.memory_space<any>>
    tpu.enqueue_dma source(%dma_start3A_64 : memref<65536xf32, #tpu.memory_space<any>>) target(%dma_start3A_62 : memref<65536xf32, #tpu.memory_space<vmem>>) target_semaphore(%arg10 : memref<!tpu.dma_semaphore, #tpu.memory_space<semaphore_mem>>)
    %dma_start3A_65 = arith.constant 3 : i32
    %dma_start3A_66 = arith.constant 0 : i32
    %dma_start3A_67 = tpu.memref_slice %arg8[%dma_start3A_65, %dma_start3A_66] : memref<8x65536xf32, #tpu.memory_space<vmem>> -> memref<1x65536xf32, #tpu.memory_space<vmem>>
    %dma_start3A_68 = tpu.memref_squeeze %dma_start3A_67 : memref<1x65536xf32, #tpu.memory_space<vmem>> -> memref<65536xf32, #tpu.memory_space<vmem>>
    %dma_start3A_69 = arith.constant 2818048 : i32
    %dma_start3A_70 = tpu.memref_slice %arg3[%dma_start3A_69] : memref<4194304xf32, #tpu.memory_space<any>> -> memref<65536xf32, #tpu.memory_space<any>>
    tpu.enqueue_dma source(%dma_start3A_70 : memref<65536xf32, #tpu.memory_space<any>>) target(%dma_start3A_68 : memref<65536xf32, #tpu.memory_space<vmem>>) target_semaphore(%arg10 : memref<!tpu.dma_semaphore, #tpu.memory_space<semaphore_mem>>)
    %dma_start3A_71 = arith.constant 4 : i32
    %dma_start3A_72 = arith.constant 0 : i32
    %dma_start3A_73 = tpu.memref_slice %arg8[%dma_start3A_71, %dma_start3A_72] : memref<8x65536xf32, #tpu.memory_space<vmem>> -> memref<1x65536xf32, #tpu.memory_space<vmem>>
    %dma_start3A_74 = tpu.memref_squeeze %dma_start3A_73 : memref<1x65536xf32, #tpu.memory_space<vmem>> -> memref<65536xf32, #tpu.memory_space<vmem>>
    %dma_start3A_75 = arith.constant 2883584 : i32
    %dma_start3A_76 = tpu.memref_slice %arg3[%dma_start3A_75] : memref<4194304xf32, #tpu.memory_space<any>> -> memref<65536xf32, #tpu.memory_space<any>>
    tpu.enqueue_dma source(%dma_start3A_76 : memref<65536xf32, #tpu.memory_space<any>>) target(%dma_start3A_74 : memref<65536xf32, #tpu.memory_space<vmem>>) target_semaphore(%arg10 : memref<!tpu.dma_semaphore, #tpu.memory_space<semaphore_mem>>)
    %dma_start3A_77 = arith.constant 5 : i32
    %dma_start3A_78 = arith.constant 0 : i32
    %dma_start3A_79 = tpu.memref_slice %arg8[%dma_start3A_77, %dma_start3A_78] : memref<8x65536xf32, #tpu.memory_space<vmem>> -> memref<1x65536xf32, #tpu.memory_space<vmem>>
    %dma_start3A_80 = tpu.memref_squeeze %dma_start3A_79 : memref<1x65536xf32, #tpu.memory_space<vmem>> -> memref<65536xf32, #tpu.memory_space<vmem>>
    %dma_start3A_81 = arith.constant 2949120 : i32
    %dma_start3A_82 = tpu.memref_slice %arg3[%dma_start3A_81] : memref<4194304xf32, #tpu.memory_space<any>> -> memref<65536xf32, #tpu.memory_space<any>>
    tpu.enqueue_dma source(%dma_start3A_82 : memref<65536xf32, #tpu.memory_space<any>>) target(%dma_start3A_80 : memref<65536xf32, #tpu.memory_space<vmem>>) target_semaphore(%arg10 : memref<!tpu.dma_semaphore, #tpu.memory_space<semaphore_mem>>)
    %dma_start3A_83 = arith.constant 6 : i32
    %dma_start3A_84 = arith.constant 0 : i32
    %dma_start3A_85 = tpu.memref_slice %arg8[%dma_start3A_83, %dma_start3A_84] : memref<8x65536xf32, #tpu.memory_space<vmem>> -> memref<1x65536xf32, #tpu.memory_space<vmem>>
    %dma_start3A_86 = tpu.memref_squeeze %dma_start3A_85 : memref<1x65536xf32, #tpu.memory_space<vmem>> -> memref<65536xf32, #tpu.memory_space<vmem>>
    %dma_start3A_87 = arith.constant 3014656 : i32
    %dma_start3A_88 = tpu.memref_slice %arg3[%dma_start3A_87] : memref<4194304xf32, #tpu.memory_space<any>> -> memref<65536xf32, #tpu.memory_space<any>>
    tpu.enqueue_dma source(%dma_start3A_88 : memref<65536xf32, #tpu.memory_space<any>>) target(%dma_start3A_86 : memref<65536xf32, #tpu.memory_space<vmem>>) target_semaphore(%arg10 : memref<!tpu.dma_semaphore, #tpu.memory_space<semaphore_mem>>)
    %dma_start3A_89 = arith.constant 7 : i32
    %dma_start3A_90 = arith.constant 0 : i32
    %dma_start3A_91 = tpu.memref_slice %arg8[%dma_start3A_89, %dma_start3A_90] : memref<8x65536xf32, #tpu.memory_space<vmem>> -> memref<1x65536xf32, #tpu.memory_space<vmem>>
    %dma_start3A_92 = tpu.memref_squeeze %dma_start3A_91 : memref<1x65536xf32, #tpu.memory_space<vmem>> -> memref<65536xf32, #tpu.memory_space<vmem>>
    %dma_start3A_93 = arith.constant 3080192 : i32
    %dma_start3A_94 = tpu.memref_slice %arg3[%dma_start3A_93] : memref<4194304xf32, #tpu.memory_space<any>> -> memref<65536xf32, #tpu.memory_space<any>>
    tpu.enqueue_dma source(%dma_start3A_94 : memref<65536xf32, #tpu.memory_space<any>>) target(%dma_start3A_92 : memref<65536xf32, #tpu.memory_space<vmem>>) target_semaphore(%arg10 : memref<!tpu.dma_semaphore, #tpu.memory_space<semaphore_mem>>)
    %get3A = arith.constant 0 : index
    %get3A_95 = arith.constant 0 : index
    %get3A_96 = vector.load %arg0[%get3A, %get3A_95] : memref<16x2xf32, #tpu.memory_space<vmem>>, vector<16x2xf32>
    %get3A_97 = arith.constant 0 : index
    %get3A_98 = arith.constant 0 : index
    %get3A_99 = vector.load %arg1[%get3A_97, %get3A_98] : memref<16x1xi32, #tpu.memory_space<vmem>>, vector<16x1xi32>
    %get3A_100 = arith.constant 0 : index
    %get3A_101 = arith.constant 0 : index
    %get3A_102 = vector.load %arg2[%get3A_100, %get3A_101] : memref<16x2048xf32, #tpu.memory_space<vmem>>, vector<16x2048xf32>
    %reduce_max3A = arith.constant dense<0xFF800000> : vector<16xf32>
    %reduce_max3A_103 = vector.multi_reduction <maximumf>, %get3A_96, %reduce_max3A [1] : vector<16x2xf32> to vector<16xf32>
    %broadcast_in_dim3A = vector.shape_cast %reduce_max3A_103 : vector<16xf32> to vector<16x1xf32>
    %sub3A = vector.broadcast %broadcast_in_dim3A : vector<16x1xf32> to vector<16x2xf32>
    %sub3A_104 = arith.subf %get3A_96, %sub3A : vector<16x2xf32>
    %exp3A = math.exp %sub3A_104 : vector<16x2xf32>
    %reduce_sum3A = arith.constant dense<0.000000e+00> : vector<16xf32>
    %reduce_sum3A_105 = vector.multi_reduction <add>, %exp3A, %reduce_sum3A [1] : vector<16x2xf32> to vector<16xf32>
    %broadcast_in_dim3A_106 = vector.shape_cast %reduce_sum3A_105 : vector<16xf32> to vector<16x1xf32>
    %log3A = math.log %broadcast_in_dim3A_106 : vector<16x1xf32>
    %sub3A_107 = vector.broadcast %log3A : vector<16x1xf32> to vector<16x2xf32>
    %sub3A_108 = arith.subf %sub3A_104, %sub3A_107 : vector<16x2xf32>
    %eq3A = arith.constant 1 : i32
    %eq3A_109 = vector.broadcast %eq3A : i32 to vector<16x1xi32>
    %eq3A_110 = arith.cmpi eq, %get3A_99, %eq3A_109 : vector<16x1xi32>
    %slice3A = vector.extract_strided_slice %sub3A_108 {offsets = [0, 1], sizes = [16, 1], strides = [1, 1]} : vector<16x2xf32> to vector<16x1xf32>
    %slice3A_111 = vector.extract_strided_slice %sub3A_108 {offsets = [0, 0], sizes = [16, 1], strides = [1, 1]} : vector<16x2xf32> to vector<16x1xf32>
    %select_n3A = arith.select %eq3A_110, %slice3A, %slice3A_111 : vector<16x1xi1>, vector<16x1xf32>
    %reduce_sum3A_112 = vector.shape_cast %select_n3A : vector<16x1xf32> to vector<1x16x1xf32>
    %reduce_sum3A_113 = arith.constant dense<0.000000e+00> : vector<1xf32>
    %reduce_sum3A_114 = vector.multi_reduction <add>, %reduce_sum3A_112, %reduce_sum3A_113 [1, 2] : vector<1x16x1xf32> to vector<1xf32>
    %reduce_sum3A_115 = vector.shape_cast %reduce_sum3A_114 : vector<1xf32> to vector<1x1x1xf32>
    %reduce_sum3A_116 = vector.extract %reduce_sum3A_115[0, 0, 0] : f32 from vector<1x1x1xf32>
    %div3A = arith.constant 1.600000e+01 : f32
    %div3A_117 = arith.divf %reduce_sum3A_116, %div3A : f32
    %neg3A = arith.constant 0.000000e+00 : f32
    %neg3A_118 = arith.subf %neg3A, %div3A_117 : f32
    %iota3A = tpu.iota {dimensions = array<i32: 1>} : vector<16x2048xi32>
    %convert_element_type3A = arith.sitofp %iota3A : vector<16x2048xi32> to vector<16x2048xf32>
    %add3A = arith.constant 1.000000e+00 : f32
    %add3A_119 = vector.broadcast %add3A : f32 to vector<16x2048xf32>
    %add3A_120 = arith.addf %convert_element_type3A, %add3A_119 : vector<16x2048xf32>
    %mul3A = arith.constant 4.8828125E-4 : f32
    %mul3A_121 = vector.broadcast %mul3A : f32 to vector<16x2048xf32>
    %mul3A_122 = arith.mulf %add3A_120, %mul3A_121 : vector<16x2048xf32>
    %reduce_sum3A_123 = arith.constant dense<0.000000e+00> : vector<16xf32>
    %reduce_sum3A_124 = vector.multi_reduction <add>, %get3A_102, %reduce_sum3A_123 [1] : vector<16x2048xf32> to vector<16xf32>
    %broadcast_in_dim3A_125 = vector.shape_cast %reduce_sum3A_124 : vector<16xf32> to vector<16x1xf32>
    %mul3A_126 = arith.mulf %mul3A_122, %get3A_102 : vector<16x2048xf32>
    %reduce_sum3A_127 = arith.constant dense<0.000000e+00> : vector<16xf32>
    %reduce_sum3A_128 = vector.multi_reduction <add>, %mul3A_126, %reduce_sum3A_127 [1] : vector<16x2048xf32> to vector<16xf32>
    %broadcast_in_dim3A_129 = vector.shape_cast %reduce_sum3A_128 : vector<16xf32> to vector<16x1xf32>
    %div3A_130 = arith.divf %broadcast_in_dim3A_129, %broadcast_in_dim3A_125 : vector<16x1xf32>
    %convert_element_type3A_131 = arith.sitofp %get3A_99 : vector<16x1xi32> to vector<16x1xf32>
    %eq3A_132 = arith.constant 1.000000e+00 : f32
    %eq3A_133 = vector.broadcast %eq3A_132 : f32 to vector<16x1xf32>
    %eq3A_134 = arith.cmpf oeq, %convert_element_type3A_131, %eq3A_133 : vector<16x1xf32>
    %jit3A = arith.constant 1.000000e+00 : f32
    %jit3A_135 = arith.constant 1.000000e+03 : f32
    %broadcast_in_dim3A_136 = vector.broadcast %jit3A : f32 to vector<16x1xf32>
    %broadcast_in_dim3A_137 = vector.broadcast %jit3A_135 : f32 to vector<16x1xf32>
    %select_n3A_138 = arith.select %eq3A_134, %broadcast_in_dim3A_136, %broadcast_in_dim3A_137 : vector<16x1xi1>, vector<16x1xf32>
    %mul3A_139 = arith.constant 4.8828125E-4 : f32
    %mul3A_140 = vector.broadcast %mul3A_139 : f32 to vector<16x1xf32>
    %mul3A_141 = arith.mulf %select_n3A_138, %mul3A_140 : vector<16x1xf32>
    %sub3A_142 = vector.broadcast %div3A_130 : vector<16x1xf32> to vector<16x2048xf32>
    %sub3A_143 = arith.subf %mul3A_122, %sub3A_142 : vector<16x2048xf32>
    %div3A_144 = vector.broadcast %mul3A_141 : vector<16x1xf32> to vector<16x2048xf32>
    %div3A_145 = arith.divf %sub3A_143, %div3A_144 : vector<16x2048xf32>
    %mul3A_146 = arith.constant -5.000000e-01 : f32
    %mul3A_147 = vector.broadcast %mul3A_146 : f32 to vector<16x2048xf32>
    %mul3A_148 = arith.mulf %mul3A_147, %div3A_145 : vector<16x2048xf32>
    %mul3A_149 = arith.mulf %mul3A_148, %div3A_145 : vector<16x2048xf32>
    %exp3A_150 = math.exp %mul3A_149 : vector<16x2048xf32>
    %sqrt3A = arith.constant 6.28318548 : f32
    %sqrt3A_151 = math.sqrt %sqrt3A : f32
    %mul3A_152 = vector.broadcast %sqrt3A_151 : f32 to vector<16x1xf32>
    %mul3A_153 = arith.mulf %mul3A_141, %mul3A_152 : vector<16x1xf32>
    %div3A_154 = vector.broadcast %mul3A_153 : vector<16x1xf32> to vector<16x2048xf32>
    %div3A_155 = arith.divf %exp3A_150, %div3A_154 : vector<16x2048xf32>
    %reduce_sum3A_156 = arith.constant dense<0.000000e+00> : vector<16xf32>
    %reduce_sum3A_157 = vector.multi_reduction <add>, %div3A_155, %reduce_sum3A_156 [1] : vector<16x2048xf32> to vector<16xf32>
    %broadcast_in_dim3A_158 = vector.shape_cast %reduce_sum3A_157 : vector<16xf32> to vector<16x1xf32>
    %add3A_159 = arith.constant 9.99999997E-7 : f32
    %add3A_160 = vector.broadcast %add3A_159 : f32 to vector<16x1xf32>
    %add3A_161 = arith.addf %broadcast_in_dim3A_158, %add3A_160 : vector<16x1xf32>
    %div3A_162 = vector.broadcast %add3A_161 : vector<16x1xf32> to vector<16x2048xf32>
    %div3A_163 = arith.divf %div3A_155, %div3A_162 : vector<16x2048xf32>
    %sub3A_164 = arith.subf %get3A_102, %div3A_163 : vector<16x2048xf32>
    %mul3A_165 = arith.mulf %sub3A_164, %sub3A_164 : vector<16x2048xf32>
    %reduce_sum3A_166 = vector.shape_cast %mul3A_165 : vector<16x2048xf32> to vector<1x16x2048xf32>
    %reduce_sum3A_167 = arith.constant dense<0.000000e+00> : vector<1xf32>
    %reduce_sum3A_168 = vector.multi_reduction <add>, %reduce_sum3A_166, %reduce_sum3A_167 [1, 2] : vector<1x16x2048xf32> to vector<1xf32>
    %reduce_sum3A_169 = vector.shape_cast %reduce_sum3A_168 : vector<1xf32> to vector<1x1x1xf32>
    %reduce_sum3A_170 = vector.extract %reduce_sum3A_169[0, 0, 0] : f32 from vector<1x1x1xf32>
    %div3A_171 = arith.constant 3.276800e+04 : f32
    %div3A_172 = arith.divf %reduce_sum3A_170, %div3A_171 : f32
    %mul3A_173 = arith.constant 5.000000e-01 : f32
    %mul3A_174 = arith.mulf %mul3A_173, %div3A_172 : f32
    %reshape3A = vector.broadcast %neg3A_118 : f32 to vector<1x1xf32>
    %swap3A = arith.constant 0 : index
    %swap3A_175 = arith.constant 0 : index
    %swap3A_176 = vector.load %arg4[%swap3A, %swap3A_175] : memref<1x1xf32, #tpu.memory_space<vmem>>, vector<1x1xf32>
    tpu.vector_store %arg4[%swap3A, %swap3A_175], %reshape3A {strides = array<i32>} : memref<1x1xf32, #tpu.memory_space<vmem>>, vector<1x1xf32>,
    %reshape3A_177 = vector.broadcast %mul3A_174 : f32 to vector<1x1xf32>
    %swap3A_178 = arith.constant 0 : index
    %swap3A_179 = arith.constant 0 : index
    %swap3A_180 = vector.load %arg5[%swap3A_178, %swap3A_179] : memref<1x1xf32, #tpu.memory_space<vmem>>, vector<1x1xf32>
    tpu.vector_store %arg5[%swap3A_178, %swap3A_179], %reshape3A_177 {strides = array<i32>} : memref<1x1xf32, #tpu.memory_space<vmem>>, vector<1x1xf32>,
    %dma_wait3A = arith.constant 0 : i32
    %dma_wait3A_181 = arith.constant 0 : i32
    %dma_wait3A_182 = tpu.memref_slice %arg7[%dma_wait3A, %dma_wait3A_181] : memref<8x65536xf32, #tpu.memory_space<vmem>> -> memref<1x65536xf32, #tpu.memory_space<vmem>>
    %dma_wait3A_183 = tpu.memref_squeeze %dma_wait3A_182 : memref<1x65536xf32, #tpu.memory_space<vmem>> -> memref<65536xf32, #tpu.memory_space<vmem>>
    %dma_wait3A_184 = arith.constant 2097152 : i32
    %dma_wait3A_185 = tpu.memref_slice %arg3[%dma_wait3A_184] : memref<4194304xf32, #tpu.memory_space<any>> -> memref<65536xf32, #tpu.memory_space<any>>
    tpu.wait_dma2 semaphore(%arg9 : memref<!tpu.dma_semaphore, #tpu.memory_space<semaphore_mem>>) src(%dma_wait3A_185 : memref<65536xf32, #tpu.memory_space<any>>) dst(%dma_wait3A_183 : memref<65536xf32, #tpu.memory_space<vmem>>)
    %dma_wait3A_186 = arith.constant 1 : i32
    %dma_wait3A_187 = arith.constant 0 : i32
    %dma_wait3A_188 = tpu.memref_slice %arg7[%dma_wait3A_186, %dma_wait3A_187] : memref<8x65536xf32, #tpu.memory_space<vmem>> -> memref<1x65536xf32, #tpu.memory_space<vmem>>
    %dma_wait3A_189 = tpu.memref_squeeze %dma_wait3A_188 : memref<1x65536xf32, #tpu.memory_space<vmem>> -> memref<65536xf32, #tpu.memory_space<vmem>>
    %dma_wait3A_190 = arith.constant 2162688 : i32
    %dma_wait3A_191 = tpu.memref_slice %arg3[%dma_wait3A_190] : memref<4194304xf32, #tpu.memory_space<any>> -> memref<65536xf32, #tpu.memory_space<any>>
    tpu.wait_dma2 semaphore(%arg9 : memref<!tpu.dma_semaphore, #tpu.memory_space<semaphore_mem>>) src(%dma_wait3A_191 : memref<65536xf32, #tpu.memory_space<any>>) dst(%dma_wait3A_189 : memref<65536xf32, #tpu.memory_space<vmem>>)
    %dma_wait3A_192 = arith.constant 2 : i32
    %dma_wait3A_193 = arith.constant 0 : i32
    %dma_wait3A_194 = tpu.memref_slice %arg7[%dma_wait3A_192, %dma_wait3A_193] : memref<8x65536xf32, #tpu.memory_space<vmem>> -> memref<1x65536xf32, #tpu.memory_space<vmem>>
    %dma_wait3A_195 = tpu.memref_squeeze %dma_wait3A_194 : memref<1x65536xf32, #tpu.memory_space<vmem>> -> memref<65536xf32, #tpu.memory_space<vmem>>
    %dma_wait3A_196 = arith.constant 2228224 : i32
    %dma_wait3A_197 = tpu.memref_slice %arg3[%dma_wait3A_196] : memref<4194304xf32, #tpu.memory_space<any>> -> memref<65536xf32, #tpu.memory_space<any>>
    tpu.wait_dma2 semaphore(%arg9 : memref<!tpu.dma_semaphore, #tpu.memory_space<semaphore_mem>>) src(%dma_wait3A_197 : memref<65536xf32, #tpu.memory_space<any>>) dst(%dma_wait3A_195 : memref<65536xf32, #tpu.memory_space<vmem>>)
    %dma_wait3A_198 = arith.constant 3 : i32
    %dma_wait3A_199 = arith.constant 0 : i32
    %dma_wait3A_200 = tpu.memref_slice %arg7[%dma_wait3A_198, %dma_wait3A_199] : memref<8x65536xf32, #tpu.memory_space<vmem>> -> memref<1x65536xf32, #tpu.memory_space<vmem>>
    %dma_wait3A_201 = tpu.memref_squeeze %dma_wait3A_200 : memref<1x65536xf32, #tpu.memory_space<vmem>> -> memref<65536xf32, #tpu.memory_space<vmem>>
    %dma_wait3A_202 = arith.constant 2293760 : i32
    %dma_wait3A_203 = tpu.memref_slice %arg3[%dma_wait3A_202] : memref<4194304xf32, #tpu.memory_space<any>> -> memref<65536xf32, #tpu.memory_space<any>>
    tpu.wait_dma2 semaphore(%arg9 : memref<!tpu.dma_semaphore, #tpu.memory_space<semaphore_mem>>) src(%dma_wait3A_203 : memref<65536xf32, #tpu.memory_space<any>>) dst(%dma_wait3A_201 : memref<65536xf32, #tpu.memory_space<vmem>>)
    %dma_wait3A_204 = arith.constant 4 : i32
    %dma_wait3A_205 = arith.constant 0 : i32
    %dma_wait3A_206 = tpu.memref_slice %arg7[%dma_wait3A_204, %dma_wait3A_205] : memref<8x65536xf32, #tpu.memory_space<vmem>> -> memref<1x65536xf32, #tpu.memory_space<vmem>>
    %dma_wait3A_207 = tpu.memref_squeeze %dma_wait3A_206 : memref<1x65536xf32, #tpu.memory_space<vmem>> -> memref<65536xf32, #tpu.memory_space<vmem>>
    %dma_wait3A_208 = arith.constant 2359296 : i32
    %dma_wait3A_209 = tpu.memref_slice %arg3[%dma_wait3A_208] : memref<4194304xf32, #tpu.memory_space<any>> -> memref<65536xf32, #tpu.memory_space<any>>
    tpu.wait_dma2 semaphore(%arg9 : memref<!tpu.dma_semaphore, #tpu.memory_space<semaphore_mem>>) src(%dma_wait3A_209 : memref<65536xf32, #tpu.memory_space<any>>) dst(%dma_wait3A_207 : memref<65536xf32, #tpu.memory_space<vmem>>)
    %dma_wait3A_210 = arith.constant 5 : i32
    %dma_wait3A_211 = arith.constant 0 : i32
    %dma_wait3A_212 = tpu.memref_slice %arg7[%dma_wait3A_210, %dma_wait3A_211] : memref<8x65536xf32, #tpu.memory_space<vmem>> -> memref<1x65536xf32, #tpu.memory_space<vmem>>
    %dma_wait3A_213 = tpu.memref_squeeze %dma_wait3A_212 : memref<1x65536xf32, #tpu.memory_space<vmem>> -> memref<65536xf32, #tpu.memory_space<vmem>>
    %dma_wait3A_214 = arith.constant 2424832 : i32
    %dma_wait3A_215 = tpu.memref_slice %arg3[%dma_wait3A_214] : memref<4194304xf32, #tpu.memory_space<any>> -> memref<65536xf32, #tpu.memory_space<any>>
    tpu.wait_dma2 semaphore(%arg9 : memref<!tpu.dma_semaphore, #tpu.memory_space<semaphore_mem>>) src(%dma_wait3A_215 : memref<65536xf32, #tpu.memory_space<any>>) dst(%dma_wait3A_213 : memref<65536xf32, #tpu.memory_space<vmem>>)
    %dma_wait3A_216 = arith.constant 6 : i32
    %dma_wait3A_217 = arith.constant 0 : i32
    %dma_wait3A_218 = tpu.memref_slice %arg7[%dma_wait3A_216, %dma_wait3A_217] : memref<8x65536xf32, #tpu.memory_space<vmem>> -> memref<1x65536xf32, #tpu.memory_space<vmem>>
    %dma_wait3A_219 = tpu.memref_squeeze %dma_wait3A_218 : memref<1x65536xf32, #tpu.memory_space<vmem>> -> memref<65536xf32, #tpu.memory_space<vmem>>
    %dma_wait3A_220 = arith.constant 2490368 : i32
    %dma_wait3A_221 = tpu.memref_slice %arg3[%dma_wait3A_220] : memref<4194304xf32, #tpu.memory_space<any>> -> memref<65536xf32, #tpu.memory_space<any>>
    tpu.wait_dma2 semaphore(%arg9 : memref<!tpu.dma_semaphore, #tpu.memory_space<semaphore_mem>>) src(%dma_wait3A_221 : memref<65536xf32, #tpu.memory_space<any>>) dst(%dma_wait3A_219 : memref<65536xf32, #tpu.memory_space<vmem>>)
    %dma_wait3A_222 = arith.constant 7 : i32
    %dma_wait3A_223 = arith.constant 0 : i32
    %dma_wait3A_224 = tpu.memref_slice %arg7[%dma_wait3A_222, %dma_wait3A_223] : memref<8x65536xf32, #tpu.memory_space<vmem>> -> memref<1x65536xf32, #tpu.memory_space<vmem>>
    %dma_wait3A_225 = tpu.memref_squeeze %dma_wait3A_224 : memref<1x65536xf32, #tpu.memory_space<vmem>> -> memref<65536xf32, #tpu.memory_space<vmem>>
    %dma_wait3A_226 = arith.constant 2555904 : i32
    %dma_wait3A_227 = tpu.memref_slice %arg3[%dma_wait3A_226] : memref<4194304xf32, #tpu.memory_space<any>> -> memref<65536xf32, #tpu.memory_space<any>>
    tpu.wait_dma2 semaphore(%arg9 : memref<!tpu.dma_semaphore, #tpu.memory_space<semaphore_mem>>) src(%dma_wait3A_227 : memref<65536xf32, #tpu.memory_space<any>>) dst(%dma_wait3A_225 : memref<65536xf32, #tpu.memory_space<vmem>>)
    %get3A_228 = arith.constant 0 : index
    %get3A_229 = arith.constant 0 : index
    %get3A_230 = vector.load %arg7[%get3A_228, %get3A_229] : memref<8x65536xf32, #tpu.memory_space<vmem>>, vector<8x65536xf32>
    %abs3A = math.absf %get3A_230 : vector<8x65536xf32>
    %reduce_sum3A_231 = vector.shape_cast %abs3A : vector<8x65536xf32> to vector<1x8x65536xf32>
    %reduce_sum3A_232 = arith.constant dense<0.000000e+00> : vector<1xf32>
    %reduce_sum3A_233 = vector.multi_reduction <add>, %reduce_sum3A_231, %reduce_sum3A_232 [1, 2] : vector<1x8x65536xf32> to vector<1xf32>
    %reduce_sum3A_234 = vector.shape_cast %reduce_sum3A_233 : vector<1xf32> to vector<1x1x1xf32>
    %reduce_sum3A_235 = vector.extract %reduce_sum3A_234[0, 0, 0] : f32 from vector<1x1x1xf32>
    %add3A_236 = arith.constant 0.000000e+00 : f32
    %add3A_237 = arith.addf %add3A_236, %reduce_sum3A_235 : f32
    %dma_start3A_238 = arith.constant 0 : i32
    %dma_start3A_239 = arith.constant 0 : i32
    %dma_start3A_240 = tpu.memref_slice %arg7[%dma_start3A_238, %dma_start3A_239] : memref<8x65536xf32, #tpu.memory_space<vmem>> -> memref<1x65536xf32, #tpu.memory_space<vmem>>
    %dma_start3A_241 = tpu.memref_squeeze %dma_start3A_240 : memref<1x65536xf32, #tpu.memory_space<vmem>> -> memref<65536xf32, #tpu.memory_space<vmem>>
    %dma_start3A_242 = arith.constant 3145728 : i32
    %dma_start3A_243 = tpu.memref_slice %arg3[%dma_start3A_242] : memref<4194304xf32, #tpu.memory_space<any>> -> memref<65536xf32, #tpu.memory_space<any>>
    tpu.enqueue_dma source(%dma_start3A_243 : memref<65536xf32, #tpu.memory_space<any>>) target(%dma_start3A_241 : memref<65536xf32, #tpu.memory_space<vmem>>) target_semaphore(%arg9 : memref<!tpu.dma_semaphore, #tpu.memory_space<semaphore_mem>>)
    %dma_start3A_244 = arith.constant 1 : i32
    %dma_start3A_245 = arith.constant 0 : i32
    %dma_start3A_246 = tpu.memref_slice %arg7[%dma_start3A_244, %dma_start3A_245] : memref<8x65536xf32, #tpu.memory_space<vmem>> -> memref<1x65536xf32, #tpu.memory_space<vmem>>
    %dma_start3A_247 = tpu.memref_squeeze %dma_start3A_246 : memref<1x65536xf32, #tpu.memory_space<vmem>> -> memref<65536xf32, #tpu.memory_space<vmem>>
    %dma_start3A_248 = arith.constant 3211264 : i32
    %dma_start3A_249 = tpu.memref_slice %arg3[%dma_start3A_248] : memref<4194304xf32, #tpu.memory_space<any>> -> memref<65536xf32, #tpu.memory_space<any>>
    tpu.enqueue_dma source(%dma_start3A_249 : memref<65536xf32, #tpu.memory_space<any>>) target(%dma_start3A_247 : memref<65536xf32, #tpu.memory_space<vmem>>) target_semaphore(%arg9 : memref<!tpu.dma_semaphore, #tpu.memory_space<semaphore_mem>>)
    %dma_start3A_250 = arith.constant 2 : i32
    %dma_start3A_251 = arith.constant 0 : i32
    %dma_start3A_252 = tpu.memref_slice %arg7[%dma_start3A_250, %dma_start3A_251] : memref<8x65536xf32, #tpu.memory_space<vmem>> -> memref<1x65536xf32, #tpu.memory_space<vmem>>
    %dma_start3A_253 = tpu.memref_squeeze %dma_start3A_252 : memref<1x65536xf32, #tpu.memory_space<vmem>> -> memref<65536xf32, #tpu.memory_space<vmem>>
    %dma_start3A_254 = arith.constant 3276800 : i32
    %dma_start3A_255 = tpu.memref_slice %arg3[%dma_start3A_254] : memref<4194304xf32, #tpu.memory_space<any>> -> memref<65536xf32, #tpu.memory_space<any>>
    tpu.enqueue_dma source(%dma_start3A_255 : memref<65536xf32, #tpu.memory_space<any>>) target(%dma_start3A_253 : memref<65536xf32, #tpu.memory_space<vmem>>) target_semaphore(%arg9 : memref<!tpu.dma_semaphore, #tpu.memory_space<semaphore_mem>>)
    %dma_start3A_256 = arith.constant 3 : i32
    %dma_start3A_257 = arith.constant 0 : i32
    %dma_start3A_258 = tpu.memref_slice %arg7[%dma_start3A_256, %dma_start3A_257] : memref<8x65536xf32, #tpu.memory_space<vmem>> -> memref<1x65536xf32, #tpu.memory_space<vmem>>
    %dma_start3A_259 = tpu.memref_squeeze %dma_start3A_258 : memref<1x65536xf32, #tpu.memory_space<vmem>> -> memref<65536xf32, #tpu.memory_space<vmem>>
    %dma_start3A_260 = arith.constant 3342336 : i32
    %dma_start3A_261 = tpu.memref_slice %arg3[%dma_start3A_260] : memref<4194304xf32, #tpu.memory_space<any>> -> memref<65536xf32, #tpu.memory_space<any>>
    tpu.enqueue_dma source(%dma_start3A_261 : memref<65536xf32, #tpu.memory_space<any>>) target(%dma_start3A_259 : memref<65536xf32, #tpu.memory_space<vmem>>) target_semaphore(%arg9 : memref<!tpu.dma_semaphore, #tpu.memory_space<semaphore_mem>>)
    %dma_start3A_262 = arith.constant 4 : i32
    %dma_start3A_263 = arith.constant 0 : i32
    %dma_start3A_264 = tpu.memref_slice %arg7[%dma_start3A_262, %dma_start3A_263] : memref<8x65536xf32, #tpu.memory_space<vmem>> -> memref<1x65536xf32, #tpu.memory_space<vmem>>
    %dma_start3A_265 = tpu.memref_squeeze %dma_start3A_264 : memref<1x65536xf32, #tpu.memory_space<vmem>> -> memref<65536xf32, #tpu.memory_space<vmem>>
    %dma_start3A_266 = arith.constant 3407872 : i32
    %dma_start3A_267 = tpu.memref_slice %arg3[%dma_start3A_266] : memref<4194304xf32, #tpu.memory_space<any>> -> memref<65536xf32, #tpu.memory_space<any>>
    tpu.enqueue_dma source(%dma_start3A_267 : memref<65536xf32, #tpu.memory_space<any>>) target(%dma_start3A_265 : memref<65536xf32, #tpu.memory_space<vmem>>) target_semaphore(%arg9 : memref<!tpu.dma_semaphore, #tpu.memory_space<semaphore_mem>>)
    %dma_start3A_268 = arith.constant 5 : i32
    %dma_start3A_269 = arith.constant 0 : i32
    %dma_start3A_270 = tpu.memref_slice %arg7[%dma_start3A_268, %dma_start3A_269] : memref<8x65536xf32, #tpu.memory_space<vmem>> -> memref<1x65536xf32, #tpu.memory_space<vmem>>
    %dma_start3A_271 = tpu.memref_squeeze %dma_start3A_270 : memref<1x65536xf32, #tpu.memory_space<vmem>> -> memref<65536xf32, #tpu.memory_space<vmem>>
    %dma_start3A_272 = arith.constant 3473408 : i32
    %dma_start3A_273 = tpu.memref_slice %arg3[%dma_start3A_272] : memref<4194304xf32, #tpu.memory_space<any>> -> memref<65536xf32, #tpu.memory_space<any>>
    tpu.enqueue_dma source(%dma_start3A_273 : memref<65536xf32, #tpu.memory_space<any>>) target(%dma_start3A_271 : memref<65536xf32, #tpu.memory_space<vmem>>) target_semaphore(%arg9 : memref<!tpu.dma_semaphore, #tpu.memory_space<semaphore_mem>>)
    %dma_start3A_274 = arith.constant 6 : i32
    %dma_start3A_275 = arith.constant 0 : i32
    %dma_start3A_276 = tpu.memref_slice %arg7[%dma_start3A_274, %dma_start3A_275] : memref<8x65536xf32, #tpu.memory_space<vmem>> -> memref<1x65536xf32, #tpu.memory_space<vmem>>
    %dma_start3A_277 = tpu.memref_squeeze %dma_start3A_276 : memref<1x65536xf32, #tpu.memory_space<vmem>> -> memref<65536xf32, #tpu.memory_space<vmem>>
    %dma_start3A_278 = arith.constant 3538944 : i32
    %dma_start3A_279 = tpu.memref_slice %arg3[%dma_start3A_278] : memref<4194304xf32, #tpu.memory_space<any>> -> memref<65536xf32, #tpu.memory_space<any>>
    tpu.enqueue_dma source(%dma_start3A_279 : memref<65536xf32, #tpu.memory_space<any>>) target(%dma_start3A_277 : memref<65536xf32, #tpu.memory_space<vmem>>) target_semaphore(%arg9 : memref<!tpu.dma_semaphore, #tpu.memory_space<semaphore_mem>>)
    %dma_start3A_280 = arith.constant 7 : i32
    %dma_start3A_281 = arith.constant 0 : i32
    %dma_start3A_282 = tpu.memref_slice %arg7[%dma_start3A_280, %dma_start3A_281] : memref<8x65536xf32, #tpu.memory_space<vmem>> -> memref<1x65536xf32, #tpu.memory_space<vmem>>
    %dma_start3A_283 = tpu.memref_squeeze %dma_start3A_282 : memref<1x65536xf32, #tpu.memory_space<vmem>> -> memref<65536xf32, #tpu.memory_space<vmem>>
    %dma_start3A_284 = arith.constant 3604480 : i32
    %dma_start3A_285 = tpu.memref_slice %arg3[%dma_start3A_284] : memref<4194304xf32, #tpu.memory_space<any>> -> memref<65536xf32, #tpu.memory_space<any>>
    tpu.enqueue_dma source(%dma_start3A_285 : memref<65536xf32, #tpu.memory_space<any>>) target(%dma_start3A_283 : memref<65536xf32, #tpu.memory_space<vmem>>) target_semaphore(%arg9 : memref<!tpu.dma_semaphore, #tpu.memory_space<semaphore_mem>>)
    %dma_wait3A_286 = arith.constant 0 : i32
    %dma_wait3A_287 = arith.constant 0 : i32
    %dma_wait3A_288 = tpu.memref_slice %arg8[%dma_wait3A_286, %dma_wait3A_287] : memref<8x65536xf32, #tpu.memory_space<vmem>> -> memref<1x65536xf32, #tpu.memory_space<vmem>>
    %dma_wait3A_289 = tpu.memref_squeeze %dma_wait3A_288 : memref<1x65536xf32, #tpu.memory_space<vmem>> -> memref<65536xf32, #tpu.memory_space<vmem>>
    %dma_wait3A_290 = arith.constant 2621440 : i32
    %dma_wait3A_291 = tpu.memref_slice %arg3[%dma_wait3A_290] : memref<4194304xf32, #tpu.memory_space<any>> -> memref<65536xf32, #tpu.memory_space<any>>
    tpu.wait_dma2 semaphore(%arg10 : memref<!tpu.dma_semaphore, #tpu.memory_space<semaphore_mem>>) src(%dma_wait3A_291 : memref<65536xf32, #tpu.memory_space<any>>) dst(%dma_wait3A_289 : memref<65536xf32, #tpu.memory_space<vmem>>)
    %dma_wait3A_292 = arith.constant 1 : i32
    %dma_wait3A_293 = arith.constant 0 : i32
    %dma_wait3A_294 = tpu.memref_slice %arg8[%dma_wait3A_292, %dma_wait3A_293] : memref<8x65536xf32, #tpu.memory_space<vmem>> -> memref<1x65536xf32, #tpu.memory_space<vmem>>
    %dma_wait3A_295 = tpu.memref_squeeze %dma_wait3A_294 : memref<1x65536xf32, #tpu.memory_space<vmem>> -> memref<65536xf32, #tpu.memory_space<vmem>>
    %dma_wait3A_296 = arith.constant 2686976 : i32
    %dma_wait3A_297 = tpu.memref_slice %arg3[%dma_wait3A_296] : memref<4194304xf32, #tpu.memory_space<any>> -> memref<65536xf32, #tpu.memory_space<any>>
    tpu.wait_dma2 semaphore(%arg10 : memref<!tpu.dma_semaphore, #tpu.memory_space<semaphore_mem>>) src(%dma_wait3A_297 : memref<65536xf32, #tpu.memory_space<any>>) dst(%dma_wait3A_295 : memref<65536xf32, #tpu.memory_space<vmem>>)
    %dma_wait3A_298 = arith.constant 2 : i32
    %dma_wait3A_299 = arith.constant 0 : i32
    %dma_wait3A_300 = tpu.memref_slice %arg8[%dma_wait3A_298, %dma_wait3A_299] : memref<8x65536xf32, #tpu.memory_space<vmem>> -> memref<1x65536xf32, #tpu.memory_space<vmem>>
    %dma_wait3A_301 = tpu.memref_squeeze %dma_wait3A_300 : memref<1x65536xf32, #tpu.memory_space<vmem>> -> memref<65536xf32, #tpu.memory_space<vmem>>
    %dma_wait3A_302 = arith.constant 2752512 : i32
    %dma_wait3A_303 = tpu.memref_slice %arg3[%dma_wait3A_302] : memref<4194304xf32, #tpu.memory_space<any>> -> memref<65536xf32, #tpu.memory_space<any>>
    tpu.wait_dma2 semaphore(%arg10 : memref<!tpu.dma_semaphore, #tpu.memory_space<semaphore_mem>>) src(%dma_wait3A_303 : memref<65536xf32, #tpu.memory_space<any>>) dst(%dma_wait3A_301 : memref<65536xf32, #tpu.memory_space<vmem>>)
    %dma_wait3A_304 = arith.constant 3 : i32
    %dma_wait3A_305 = arith.constant 0 : i32
    %dma_wait3A_306 = tpu.memref_slice %arg8[%dma_wait3A_304, %dma_wait3A_305] : memref<8x65536xf32, #tpu.memory_space<vmem>> -> memref<1x65536xf32, #tpu.memory_space<vmem>>
    %dma_wait3A_307 = tpu.memref_squeeze %dma_wait3A_306 : memref<1x65536xf32, #tpu.memory_space<vmem>> -> memref<65536xf32, #tpu.memory_space<vmem>>
    %dma_wait3A_308 = arith.constant 2818048 : i32
    %dma_wait3A_309 = tpu.memref_slice %arg3[%dma_wait3A_308] : memref<4194304xf32, #tpu.memory_space<any>> -> memref<65536xf32, #tpu.memory_space<any>>
    tpu.wait_dma2 semaphore(%arg10 : memref<!tpu.dma_semaphore, #tpu.memory_space<semaphore_mem>>) src(%dma_wait3A_309 : memref<65536xf32, #tpu.memory_space<any>>) dst(%dma_wait3A_307 : memref<65536xf32, #tpu.memory_space<vmem>>)
    %dma_wait3A_310 = arith.constant 4 : i32
    %dma_wait3A_311 = arith.constant 0 : i32
    %dma_wait3A_312 = tpu.memref_slice %arg8[%dma_wait3A_310, %dma_wait3A_311] : memref<8x65536xf32, #tpu.memory_space<vmem>> -> memref<1x65536xf32, #tpu.memory_space<vmem>>
    %dma_wait3A_313 = tpu.memref_squeeze %dma_wait3A_312 : memref<1x65536xf32, #tpu.memory_space<vmem>> -> memref<65536xf32, #tpu.memory_space<vmem>>
    %dma_wait3A_314 = arith.constant 2883584 : i32
    %dma_wait3A_315 = tpu.memref_slice %arg3[%dma_wait3A_314] : memref<4194304xf32, #tpu.memory_space<any>> -> memref<65536xf32, #tpu.memory_space<any>>
    tpu.wait_dma2 semaphore(%arg10 : memref<!tpu.dma_semaphore, #tpu.memory_space<semaphore_mem>>) src(%dma_wait3A_315 : memref<65536xf32, #tpu.memory_space<any>>) dst(%dma_wait3A_313 : memref<65536xf32, #tpu.memory_space<vmem>>)
    %dma_wait3A_316 = arith.constant 5 : i32
    %dma_wait3A_317 = arith.constant 0 : i32
    %dma_wait3A_318 = tpu.memref_slice %arg8[%dma_wait3A_316, %dma_wait3A_317] : memref<8x65536xf32, #tpu.memory_space<vmem>> -> memref<1x65536xf32, #tpu.memory_space<vmem>>
    %dma_wait3A_319 = tpu.memref_squeeze %dma_wait3A_318 : memref<1x65536xf32, #tpu.memory_space<vmem>> -> memref<65536xf32, #tpu.memory_space<vmem>>
    %dma_wait3A_320 = arith.constant 2949120 : i32
    %dma_wait3A_321 = tpu.memref_slice %arg3[%dma_wait3A_320] : memref<4194304xf32, #tpu.memory_space<any>> -> memref<65536xf32, #tpu.memory_space<any>>
    tpu.wait_dma2 semaphore(%arg10 : memref<!tpu.dma_semaphore, #tpu.memory_space<semaphore_mem>>) src(%dma_wait3A_321 : memref<65536xf32, #tpu.memory_space<any>>) dst(%dma_wait3A_319 : memref<65536xf32, #tpu.memory_space<vmem>>)
    %dma_wait3A_322 = arith.constant 6 : i32
    %dma_wait3A_323 = arith.constant 0 : i32
    %dma_wait3A_324 = tpu.memref_slice %arg8[%dma_wait3A_322, %dma_wait3A_323] : memref<8x65536xf32, #tpu.memory_space<vmem>> -> memref<1x65536xf32, #tpu.memory_space<vmem>>
    %dma_wait3A_325 = tpu.memref_squeeze %dma_wait3A_324 : memref<1x65536xf32, #tpu.memory_space<vmem>> -> memref<65536xf32, #tpu.memory_space<vmem>>
    %dma_wait3A_326 = arith.constant 3014656 : i32
    %dma_wait3A_327 = tpu.memref_slice %arg3[%dma_wait3A_326] : memref<4194304xf32, #tpu.memory_space<any>> -> memref<65536xf32, #tpu.memory_space<any>>
    tpu.wait_dma2 semaphore(%arg10 : memref<!tpu.dma_semaphore, #tpu.memory_space<semaphore_mem>>) src(%dma_wait3A_327 : memref<65536xf32, #tpu.memory_space<any>>) dst(%dma_wait3A_325 : memref<65536xf32, #tpu.memory_space<vmem>>)
    %dma_wait3A_328 = arith.constant 7 : i32
    %dma_wait3A_329 = arith.constant 0 : i32
    %dma_wait3A_330 = tpu.memref_slice %arg8[%dma_wait3A_328, %dma_wait3A_329] : memref<8x65536xf32, #tpu.memory_space<vmem>> -> memref<1x65536xf32, #tpu.memory_space<vmem>>
    %dma_wait3A_331 = tpu.memref_squeeze %dma_wait3A_330 : memref<1x65536xf32, #tpu.memory_space<vmem>> -> memref<65536xf32, #tpu.memory_space<vmem>>
    %dma_wait3A_332 = arith.constant 3080192 : i32
    %dma_wait3A_333 = tpu.memref_slice %arg3[%dma_wait3A_332] : memref<4194304xf32, #tpu.memory_space<any>> -> memref<65536xf32, #tpu.memory_space<any>>
    tpu.wait_dma2 semaphore(%arg10 : memref<!tpu.dma_semaphore, #tpu.memory_space<semaphore_mem>>) src(%dma_wait3A_333 : memref<65536xf32, #tpu.memory_space<any>>) dst(%dma_wait3A_331 : memref<65536xf32, #tpu.memory_space<vmem>>)
    %get3A_334 = arith.constant 0 : index
    %get3A_335 = arith.constant 0 : index
    %get3A_336 = vector.load %arg8[%get3A_334, %get3A_335] : memref<8x65536xf32, #tpu.memory_space<vmem>>, vector<8x65536xf32>
    %abs3A_337 = math.absf %get3A_336 : vector<8x65536xf32>
    %reduce_sum3A_338 = vector.shape_cast %abs3A_337 : vector<8x65536xf32> to vector<1x8x65536xf32>
    %reduce_sum3A_339 = arith.constant dense<0.000000e+00> : vector<1xf32>
    %reduce_sum3A_340 = vector.multi_reduction <add>, %reduce_sum3A_338, %reduce_sum3A_339 [1, 2] : vector<1x8x65536xf32> to vector<1xf32>
    %reduce_sum3A_341 = vector.shape_cast %reduce_sum3A_340 : vector<1xf32> to vector<1x1x1xf32>
    %reduce_sum3A_342 = vector.extract %reduce_sum3A_341[0, 0, 0] : f32 from vector<1x1x1xf32>
    %add3A_343 = arith.addf %add3A_237, %reduce_sum3A_342 : f32
    %dma_start3A_344 = arith.constant 0 : i32
    %dma_start3A_345 = arith.constant 0 : i32
    %dma_start3A_346 = tpu.memref_slice %arg8[%dma_start3A_344, %dma_start3A_345] : memref<8x65536xf32, #tpu.memory_space<vmem>> -> memref<1x65536xf32, #tpu.memory_space<vmem>>
    %dma_start3A_347 = tpu.memref_squeeze %dma_start3A_346 : memref<1x65536xf32, #tpu.memory_space<vmem>> -> memref<65536xf32, #tpu.memory_space<vmem>>
    %dma_start3A_348 = arith.constant 3670016 : i32
    %dma_start3A_349 = tpu.memref_slice %arg3[%dma_start3A_348] : memref<4194304xf32, #tpu.memory_space<any>> -> memref<65536xf32, #tpu.memory_space<any>>
    tpu.enqueue_dma source(%dma_start3A_349 : memref<65536xf32, #tpu.memory_space<any>>) target(%dma_start3A_347 : memref<65536xf32, #tpu.memory_space<vmem>>) target_semaphore(%arg10 : memref<!tpu.dma_semaphore, #tpu.memory_space<semaphore_mem>>)
    %dma_start3A_350 = arith.constant 1 : i32
    %dma_start3A_351 = arith.constant 0 : i32
    %dma_start3A_352 = tpu.memref_slice %arg8[%dma_start3A_350, %dma_start3A_351] : memref<8x65536xf32, #tpu.memory_space<vmem>> -> memref<1x65536xf32, #tpu.memory_space<vmem>>
    %dma_start3A_353 = tpu.memref_squeeze %dma_start3A_352 : memref<1x65536xf32, #tpu.memory_space<vmem>> -> memref<65536xf32, #tpu.memory_space<vmem>>
    %dma_start3A_354 = arith.constant 3735552 : i32
    %dma_start3A_355 = tpu.memref_slice %arg3[%dma_start3A_354] : memref<4194304xf32, #tpu.memory_space<any>> -> memref<65536xf32, #tpu.memory_space<any>>
    tpu.enqueue_dma source(%dma_start3A_355 : memref<65536xf32, #tpu.memory_space<any>>) target(%dma_start3A_353 : memref<65536xf32, #tpu.memory_space<vmem>>) target_semaphore(%arg10 : memref<!tpu.dma_semaphore, #tpu.memory_space<semaphore_mem>>)
    %dma_start3A_356 = arith.constant 2 : i32
    %dma_start3A_357 = arith.constant 0 : i32
    %dma_start3A_358 = tpu.memref_slice %arg8[%dma_start3A_356, %dma_start3A_357] : memref<8x65536xf32, #tpu.memory_space<vmem>> -> memref<1x65536xf32, #tpu.memory_space<vmem>>
    %dma_start3A_359 = tpu.memref_squeeze %dma_start3A_358 : memref<1x65536xf32, #tpu.memory_space<vmem>> -> memref<65536xf32, #tpu.memory_space<vmem>>
    %dma_start3A_360 = arith.constant 3801088 : i32
    %dma_start3A_361 = tpu.memref_slice %arg3[%dma_start3A_360] : memref<4194304xf32, #tpu.memory_space<any>> -> memref<65536xf32, #tpu.memory_space<any>>
    tpu.enqueue_dma source(%dma_start3A_361 : memref<65536xf32, #tpu.memory_space<any>>) target(%dma_start3A_359 : memref<65536xf32, #tpu.memory_space<vmem>>) target_semaphore(%arg10 : memref<!tpu.dma_semaphore, #tpu.memory_space<semaphore_mem>>)
    %dma_start3A_362 = arith.constant 3 : i32
    %dma_start3A_363 = arith.constant 0 : i32
    %dma_start3A_364 = tpu.memref_slice %arg8[%dma_start3A_362, %dma_start3A_363] : memref<8x65536xf32, #tpu.memory_space<vmem>> -> memref<1x65536xf32, #tpu.memory_space<vmem>>
    %dma_start3A_365 = tpu.memref_squeeze %dma_start3A_364 : memref<1x65536xf32, #tpu.memory_space<vmem>> -> memref<65536xf32, #tpu.memory_space<vmem>>
    %dma_start3A_366 = arith.constant 3866624 : i32
    %dma_start3A_367 = tpu.memref_slice %arg3[%dma_start3A_366] : memref<4194304xf32, #tpu.memory_space<any>> -> memref<65536xf32, #tpu.memory_space<any>>
    tpu.enqueue_dma source(%dma_start3A_367 : memref<65536xf32, #tpu.memory_space<any>>) target(%dma_start3A_365 : memref<65536xf32, #tpu.memory_space<vmem>>) target_semaphore(%arg10 : memref<!tpu.dma_semaphore, #tpu.memory_space<semaphore_mem>>)
    %dma_start3A_368 = arith.constant 4 : i32
    %dma_start3A_369 = arith.constant 0 : i32
    %dma_start3A_370 = tpu.memref_slice %arg8[%dma_start3A_368, %dma_start3A_369] : memref<8x65536xf32, #tpu.memory_space<vmem>> -> memref<1x65536xf32, #tpu.memory_space<vmem>>
    %dma_start3A_371 = tpu.memref_squeeze %dma_start3A_370 : memref<1x65536xf32, #tpu.memory_space<vmem>> -> memref<65536xf32, #tpu.memory_space<vmem>>
    %dma_start3A_372 = arith.constant 3932160 : i32
    %dma_start3A_373 = tpu.memref_slice %arg3[%dma_start3A_372] : memref<4194304xf32, #tpu.memory_space<any>> -> memref<65536xf32, #tpu.memory_space<any>>
    tpu.enqueue_dma source(%dma_start3A_373 : memref<65536xf32, #tpu.memory_space<any>>) target(%dma_start3A_371 : memref<65536xf32, #tpu.memory_space<vmem>>) target_semaphore(%arg10 : memref<!tpu.dma_semaphore, #tpu.memory_space<semaphore_mem>>)
    %dma_start3A_374 = arith.constant 5 : i32
    %dma_start3A_375 = arith.constant 0 : i32
    %dma_start3A_376 = tpu.memref_slice %arg8[%dma_start3A_374, %dma_start3A_375] : memref<8x65536xf32, #tpu.memory_space<vmem>> -> memref<1x65536xf32, #tpu.memory_space<vmem>>
    %dma_start3A_377 = tpu.memref_squeeze %dma_start3A_376 : memref<1x65536xf32, #tpu.memory_space<vmem>> -> memref<65536xf32, #tpu.memory_space<vmem>>
    %dma_start3A_378 = arith.constant 3997696 : i32
    %dma_start3A_379 = tpu.memref_slice %arg3[%dma_start3A_378] : memref<4194304xf32, #tpu.memory_space<any>> -> memref<65536xf32, #tpu.memory_space<any>>
    tpu.enqueue_dma source(%dma_start3A_379 : memref<65536xf32, #tpu.memory_space<any>>) target(%dma_start3A_377 : memref<65536xf32, #tpu.memory_space<vmem>>) target_semaphore(%arg10 : memref<!tpu.dma_semaphore, #tpu.memory_space<semaphore_mem>>)
    %dma_start3A_380 = arith.constant 6 : i32
    %dma_start3A_381 = arith.constant 0 : i32
    %dma_start3A_382 = tpu.memref_slice %arg8[%dma_start3A_380, %dma_start3A_381] : memref<8x65536xf32, #tpu.memory_space<vmem>> -> memref<1x65536xf32, #tpu.memory_space<vmem>>
    %dma_start3A_383 = tpu.memref_squeeze %dma_start3A_382 : memref<1x65536xf32, #tpu.memory_space<vmem>> -> memref<65536xf32, #tpu.memory_space<vmem>>
    %dma_start3A_384 = arith.constant 4063232 : i32
    %dma_start3A_385 = tpu.memref_slice %arg3[%dma_start3A_384] : memref<4194304xf32, #tpu.memory_space<any>> -> memref<65536xf32, #tpu.memory_space<any>>
    tpu.enqueue_dma source(%dma_start3A_385 : memref<65536xf32, #tpu.memory_space<any>>) target(%dma_start3A_383 : memref<65536xf32, #tpu.memory_space<vmem>>) target_semaphore(%arg10 : memref<!tpu.dma_semaphore, #tpu.memory_space<semaphore_mem>>)
    %dma_start3A_386 = arith.constant 7 : i32
    %dma_start3A_387 = arith.constant 0 : i32
    %dma_start3A_388 = tpu.memref_slice %arg8[%dma_start3A_386, %dma_start3A_387] : memref<8x65536xf32, #tpu.memory_space<vmem>> -> memref<1x65536xf32, #tpu.memory_space<vmem>>
    %dma_start3A_389 = tpu.memref_squeeze %dma_start3A_388 : memref<1x65536xf32, #tpu.memory_space<vmem>> -> memref<65536xf32, #tpu.memory_space<vmem>>
    %dma_start3A_390 = arith.constant 4128768 : i32
    %dma_start3A_391 = tpu.memref_slice %arg3[%dma_start3A_390] : memref<4194304xf32, #tpu.memory_space<any>> -> memref<65536xf32, #tpu.memory_space<any>>
    tpu.enqueue_dma source(%dma_start3A_391 : memref<65536xf32, #tpu.memory_space<any>>) target(%dma_start3A_389 : memref<65536xf32, #tpu.memory_space<vmem>>) target_semaphore(%arg10 : memref<!tpu.dma_semaphore, #tpu.memory_space<semaphore_mem>>)
    %dma_wait3A_392 = arith.constant 0 : i32
    %dma_wait3A_393 = arith.constant 0 : i32
    %dma_wait3A_394 = tpu.memref_slice %arg7[%dma_wait3A_392, %dma_wait3A_393] : memref<8x65536xf32, #tpu.memory_space<vmem>> -> memref<1x65536xf32, #tpu.memory_space<vmem>>
    %dma_wait3A_395 = tpu.memref_squeeze %dma_wait3A_394 : memref<1x65536xf32, #tpu.memory_space<vmem>> -> memref<65536xf32, #tpu.memory_space<vmem>>
    %dma_wait3A_396 = arith.constant 3145728 : i32
    %dma_wait3A_397 = tpu.memref_slice %arg3[%dma_wait3A_396] : memref<4194304xf32, #tpu.memory_space<any>> -> memref<65536xf32, #tpu.memory_space<any>>
    tpu.wait_dma2 semaphore(%arg9 : memref<!tpu.dma_semaphore, #tpu.memory_space<semaphore_mem>>) src(%dma_wait3A_397 : memref<65536xf32, #tpu.memory_space<any>>) dst(%dma_wait3A_395 : memref<65536xf32, #tpu.memory_space<vmem>>)
    %dma_wait3A_398 = arith.constant 1 : i32
    %dma_wait3A_399 = arith.constant 0 : i32
    %dma_wait3A_400 = tpu.memref_slice %arg7[%dma_wait3A_398, %dma_wait3A_399] : memref<8x65536xf32, #tpu.memory_space<vmem>> -> memref<1x65536xf32, #tpu.memory_space<vmem>>
    %dma_wait3A_401 = tpu.memref_squeeze %dma_wait3A_400 : memref<1x65536xf32, #tpu.memory_space<vmem>> -> memref<65536xf32, #tpu.memory_space<vmem>>
    %dma_wait3A_402 = arith.constant 3211264 : i32
    %dma_wait3A_403 = tpu.memref_slice %arg3[%dma_wait3A_402] : memref<4194304xf32, #tpu.memory_space<any>> -> memref<65536xf32, #tpu.memory_space<any>>
    tpu.wait_dma2 semaphore(%arg9 : memref<!tpu.dma_semaphore, #tpu.memory_space<semaphore_mem>>) src(%dma_wait3A_403 : memref<65536xf32, #tpu.memory_space<any>>) dst(%dma_wait3A_401 : memref<65536xf32, #tpu.memory_space<vmem>>)
    %dma_wait3A_404 = arith.constant 2 : i32
    %dma_wait3A_405 = arith.constant 0 : i32
    %dma_wait3A_406 = tpu.memref_slice %arg7[%dma_wait3A_404, %dma_wait3A_405] : memref<8x65536xf32, #tpu.memory_space<vmem>> -> memref<1x65536xf32, #tpu.memory_space<vmem>>
    %dma_wait3A_407 = tpu.memref_squeeze %dma_wait3A_406 : memref<1x65536xf32, #tpu.memory_space<vmem>> -> memref<65536xf32, #tpu.memory_space<vmem>>
    %dma_wait3A_408 = arith.constant 3276800 : i32
    %dma_wait3A_409 = tpu.memref_slice %arg3[%dma_wait3A_408] : memref<4194304xf32, #tpu.memory_space<any>> -> memref<65536xf32, #tpu.memory_space<any>>
    tpu.wait_dma2 semaphore(%arg9 : memref<!tpu.dma_semaphore, #tpu.memory_space<semaphore_mem>>) src(%dma_wait3A_409 : memref<65536xf32, #tpu.memory_space<any>>) dst(%dma_wait3A_407 : memref<65536xf32, #tpu.memory_space<vmem>>)
    %dma_wait3A_410 = arith.constant 3 : i32
    %dma_wait3A_411 = arith.constant 0 : i32
    %dma_wait3A_412 = tpu.memref_slice %arg7[%dma_wait3A_410, %dma_wait3A_411] : memref<8x65536xf32, #tpu.memory_space<vmem>> -> memref<1x65536xf32, #tpu.memory_space<vmem>>
    %dma_wait3A_413 = tpu.memref_squeeze %dma_wait3A_412 : memref<1x65536xf32, #tpu.memory_space<vmem>> -> memref<65536xf32, #tpu.memory_space<vmem>>
    %dma_wait3A_414 = arith.constant 3342336 : i32
    %dma_wait3A_415 = tpu.memref_slice %arg3[%dma_wait3A_414] : memref<4194304xf32, #tpu.memory_space<any>> -> memref<65536xf32, #tpu.memory_space<any>>
    tpu.wait_dma2 semaphore(%arg9 : memref<!tpu.dma_semaphore, #tpu.memory_space<semaphore_mem>>) src(%dma_wait3A_415 : memref<65536xf32, #tpu.memory_space<any>>) dst(%dma_wait3A_413 : memref<65536xf32, #tpu.memory_space<vmem>>)
    %dma_wait3A_416 = arith.constant 4 : i32
    %dma_wait3A_417 = arith.constant 0 : i32
    %dma_wait3A_418 = tpu.memref_slice %arg7[%dma_wait3A_416, %dma_wait3A_417] : memref<8x65536xf32, #tpu.memory_space<vmem>> -> memref<1x65536xf32, #tpu.memory_space<vmem>>
    %dma_wait3A_419 = tpu.memref_squeeze %dma_wait3A_418 : memref<1x65536xf32, #tpu.memory_space<vmem>> -> memref<65536xf32, #tpu.memory_space<vmem>>
    %dma_wait3A_420 = arith.constant 3407872 : i32
    %dma_wait3A_421 = tpu.memref_slice %arg3[%dma_wait3A_420] : memref<4194304xf32, #tpu.memory_space<any>> -> memref<65536xf32, #tpu.memory_space<any>>
    tpu.wait_dma2 semaphore(%arg9 : memref<!tpu.dma_semaphore, #tpu.memory_space<semaphore_mem>>) src(%dma_wait3A_421 : memref<65536xf32, #tpu.memory_space<any>>) dst(%dma_wait3A_419 : memref<65536xf32, #tpu.memory_space<vmem>>)
    %dma_wait3A_422 = arith.constant 5 : i32
    %dma_wait3A_423 = arith.constant 0 : i32
    %dma_wait3A_424 = tpu.memref_slice %arg7[%dma_wait3A_422, %dma_wait3A_423] : memref<8x65536xf32, #tpu.memory_space<vmem>> -> memref<1x65536xf32, #tpu.memory_space<vmem>>
    %dma_wait3A_425 = tpu.memref_squeeze %dma_wait3A_424 : memref<1x65536xf32, #tpu.memory_space<vmem>> -> memref<65536xf32, #tpu.memory_space<vmem>>
    %dma_wait3A_426 = arith.constant 3473408 : i32
    %dma_wait3A_427 = tpu.memref_slice %arg3[%dma_wait3A_426] : memref<4194304xf32, #tpu.memory_space<any>> -> memref<65536xf32, #tpu.memory_space<any>>
    tpu.wait_dma2 semaphore(%arg9 : memref<!tpu.dma_semaphore, #tpu.memory_space<semaphore_mem>>) src(%dma_wait3A_427 : memref<65536xf32, #tpu.memory_space<any>>) dst(%dma_wait3A_425 : memref<65536xf32, #tpu.memory_space<vmem>>)
    %dma_wait3A_428 = arith.constant 6 : i32
    %dma_wait3A_429 = arith.constant 0 : i32
    %dma_wait3A_430 = tpu.memref_slice %arg7[%dma_wait3A_428, %dma_wait3A_429] : memref<8x65536xf32, #tpu.memory_space<vmem>> -> memref<1x65536xf32, #tpu.memory_space<vmem>>
    %dma_wait3A_431 = tpu.memref_squeeze %dma_wait3A_430 : memref<1x65536xf32, #tpu.memory_space<vmem>> -> memref<65536xf32, #tpu.memory_space<vmem>>
    %dma_wait3A_432 = arith.constant 3538944 : i32
    %dma_wait3A_433 = tpu.memref_slice %arg3[%dma_wait3A_432] : memref<4194304xf32, #tpu.memory_space<any>> -> memref<65536xf32, #tpu.memory_space<any>>
    tpu.wait_dma2 semaphore(%arg9 : memref<!tpu.dma_semaphore, #tpu.memory_space<semaphore_mem>>) src(%dma_wait3A_433 : memref<65536xf32, #tpu.memory_space<any>>) dst(%dma_wait3A_431 : memref<65536xf32, #tpu.memory_space<vmem>>)
    %dma_wait3A_434 = arith.constant 7 : i32
    %dma_wait3A_435 = arith.constant 0 : i32
    %dma_wait3A_436 = tpu.memref_slice %arg7[%dma_wait3A_434, %dma_wait3A_435] : memref<8x65536xf32, #tpu.memory_space<vmem>> -> memref<1x65536xf32, #tpu.memory_space<vmem>>
    %dma_wait3A_437 = tpu.memref_squeeze %dma_wait3A_436 : memref<1x65536xf32, #tpu.memory_space<vmem>> -> memref<65536xf32, #tpu.memory_space<vmem>>
    %dma_wait3A_438 = arith.constant 3604480 : i32
    %dma_wait3A_439 = tpu.memref_slice %arg3[%dma_wait3A_438] : memref<4194304xf32, #tpu.memory_space<any>> -> memref<65536xf32, #tpu.memory_space<any>>
    tpu.wait_dma2 semaphore(%arg9 : memref<!tpu.dma_semaphore, #tpu.memory_space<semaphore_mem>>) src(%dma_wait3A_439 : memref<65536xf32, #tpu.memory_space<any>>) dst(%dma_wait3A_437 : memref<65536xf32, #tpu.memory_space<vmem>>)
    %get3A_440 = arith.constant 0 : index
    %get3A_441 = arith.constant 0 : index
    %get3A_442 = vector.load %arg7[%get3A_440, %get3A_441] : memref<8x65536xf32, #tpu.memory_space<vmem>>, vector<8x65536xf32>
    %abs3A_443 = math.absf %get3A_442 : vector<8x65536xf32>
    %reduce_sum3A_444 = vector.shape_cast %abs3A_443 : vector<8x65536xf32> to vector<1x8x65536xf32>
    %reduce_sum3A_445 = arith.constant dense<0.000000e+00> : vector<1xf32>
    %reduce_sum3A_446 = vector.multi_reduction <add>, %reduce_sum3A_444, %reduce_sum3A_445 [1, 2] : vector<1x8x65536xf32> to vector<1xf32>
    %reduce_sum3A_447 = vector.shape_cast %reduce_sum3A_446 : vector<1xf32> to vector<1x1x1xf32>
    %reduce_sum3A_448 = vector.extract %reduce_sum3A_447[0, 0, 0] : f32 from vector<1x1x1xf32>
    %add3A_449 = arith.addf %add3A_343, %reduce_sum3A_448 : f32
    %dma_wait3A_450 = arith.constant 0 : i32
    %dma_wait3A_451 = arith.constant 0 : i32
    %dma_wait3A_452 = tpu.memref_slice %arg8[%dma_wait3A_450, %dma_wait3A_451] : memref<8x65536xf32, #tpu.memory_space<vmem>> -> memref<1x65536xf32, #tpu.memory_space<vmem>>
    %dma_wait3A_453 = tpu.memref_squeeze %dma_wait3A_452 : memref<1x65536xf32, #tpu.memory_space<vmem>> -> memref<65536xf32, #tpu.memory_space<vmem>>
    %dma_wait3A_454 = arith.constant 3670016 : i32
    %dma_wait3A_455 = tpu.memref_slice %arg3[%dma_wait3A_454] : memref<4194304xf32, #tpu.memory_space<any>> -> memref<65536xf32, #tpu.memory_space<any>>
    tpu.wait_dma2 semaphore(%arg10 : memref<!tpu.dma_semaphore, #tpu.memory_space<semaphore_mem>>) src(%dma_wait3A_455 : memref<65536xf32, #tpu.memory_space<any>>) dst(%dma_wait3A_453 : memref<65536xf32, #tpu.memory_space<vmem>>)
    %dma_wait3A_456 = arith.constant 1 : i32
    %dma_wait3A_457 = arith.constant 0 : i32
    %dma_wait3A_458 = tpu.memref_slice %arg8[%dma_wait3A_456, %dma_wait3A_457] : memref<8x65536xf32, #tpu.memory_space<vmem>> -> memref<1x65536xf32, #tpu.memory_space<vmem>>
    %dma_wait3A_459 = tpu.memref_squeeze %dma_wait3A_458 : memref<1x65536xf32, #tpu.memory_space<vmem>> -> memref<65536xf32, #tpu.memory_space<vmem>>
    %dma_wait3A_460 = arith.constant 3735552 : i32
    %dma_wait3A_461 = tpu.memref_slice %arg3[%dma_wait3A_460] : memref<4194304xf32, #tpu.memory_space<any>> -> memref<65536xf32, #tpu.memory_space<any>>
    tpu.wait_dma2 semaphore(%arg10 : memref<!tpu.dma_semaphore, #tpu.memory_space<semaphore_mem>>) src(%dma_wait3A_461 : memref<65536xf32, #tpu.memory_space<any>>) dst(%dma_wait3A_459 : memref<65536xf32, #tpu.memory_space<vmem>>)
    %dma_wait3A_462 = arith.constant 2 : i32
    %dma_wait3A_463 = arith.constant 0 : i32
    %dma_wait3A_464 = tpu.memref_slice %arg8[%dma_wait3A_462, %dma_wait3A_463] : memref<8x65536xf32, #tpu.memory_space<vmem>> -> memref<1x65536xf32, #tpu.memory_space<vmem>>
    %dma_wait3A_465 = tpu.memref_squeeze %dma_wait3A_464 : memref<1x65536xf32, #tpu.memory_space<vmem>> -> memref<65536xf32, #tpu.memory_space<vmem>>
    %dma_wait3A_466 = arith.constant 3801088 : i32
    %dma_wait3A_467 = tpu.memref_slice %arg3[%dma_wait3A_466] : memref<4194304xf32, #tpu.memory_space<any>> -> memref<65536xf32, #tpu.memory_space<any>>
    tpu.wait_dma2 semaphore(%arg10 : memref<!tpu.dma_semaphore, #tpu.memory_space<semaphore_mem>>) src(%dma_wait3A_467 : memref<65536xf32, #tpu.memory_space<any>>) dst(%dma_wait3A_465 : memref<65536xf32, #tpu.memory_space<vmem>>)
    %dma_wait3A_468 = arith.constant 3 : i32
    %dma_wait3A_469 = arith.constant 0 : i32
    %dma_wait3A_470 = tpu.memref_slice %arg8[%dma_wait3A_468, %dma_wait3A_469] : memref<8x65536xf32, #tpu.memory_space<vmem>> -> memref<1x65536xf32, #tpu.memory_space<vmem>>
    %dma_wait3A_471 = tpu.memref_squeeze %dma_wait3A_470 : memref<1x65536xf32, #tpu.memory_space<vmem>> -> memref<65536xf32, #tpu.memory_space<vmem>>
    %dma_wait3A_472 = arith.constant 3866624 : i32
    %dma_wait3A_473 = tpu.memref_slice %arg3[%dma_wait3A_472] : memref<4194304xf32, #tpu.memory_space<any>> -> memref<65536xf32, #tpu.memory_space<any>>
    tpu.wait_dma2 semaphore(%arg10 : memref<!tpu.dma_semaphore, #tpu.memory_space<semaphore_mem>>) src(%dma_wait3A_473 : memref<65536xf32, #tpu.memory_space<any>>) dst(%dma_wait3A_471 : memref<65536xf32, #tpu.memory_space<vmem>>)
    %dma_wait3A_474 = arith.constant 4 : i32
    %dma_wait3A_475 = arith.constant 0 : i32
    %dma_wait3A_476 = tpu.memref_slice %arg8[%dma_wait3A_474, %dma_wait3A_475] : memref<8x65536xf32, #tpu.memory_space<vmem>> -> memref<1x65536xf32, #tpu.memory_space<vmem>>
    %dma_wait3A_477 = tpu.memref_squeeze %dma_wait3A_476 : memref<1x65536xf32, #tpu.memory_space<vmem>> -> memref<65536xf32, #tpu.memory_space<vmem>>
    %dma_wait3A_478 = arith.constant 3932160 : i32
    %dma_wait3A_479 = tpu.memref_slice %arg3[%dma_wait3A_478] : memref<4194304xf32, #tpu.memory_space<any>> -> memref<65536xf32, #tpu.memory_space<any>>
    tpu.wait_dma2 semaphore(%arg10 : memref<!tpu.dma_semaphore, #tpu.memory_space<semaphore_mem>>) src(%dma_wait3A_479 : memref<65536xf32, #tpu.memory_space<any>>) dst(%dma_wait3A_477 : memref<65536xf32, #tpu.memory_space<vmem>>)
    %dma_wait3A_480 = arith.constant 5 : i32
    %dma_wait3A_481 = arith.constant 0 : i32
    %dma_wait3A_482 = tpu.memref_slice %arg8[%dma_wait3A_480, %dma_wait3A_481] : memref<8x65536xf32, #tpu.memory_space<vmem>> -> memref<1x65536xf32, #tpu.memory_space<vmem>>
    %dma_wait3A_483 = tpu.memref_squeeze %dma_wait3A_482 : memref<1x65536xf32, #tpu.memory_space<vmem>> -> memref<65536xf32, #tpu.memory_space<vmem>>
    %dma_wait3A_484 = arith.constant 3997696 : i32
    %dma_wait3A_485 = tpu.memref_slice %arg3[%dma_wait3A_484] : memref<4194304xf32, #tpu.memory_space<any>> -> memref<65536xf32, #tpu.memory_space<any>>
    tpu.wait_dma2 semaphore(%arg10 : memref<!tpu.dma_semaphore, #tpu.memory_space<semaphore_mem>>) src(%dma_wait3A_485 : memref<65536xf32, #tpu.memory_space<any>>) dst(%dma_wait3A_483 : memref<65536xf32, #tpu.memory_space<vmem>>)
    %dma_wait3A_486 = arith.constant 6 : i32
    %dma_wait3A_487 = arith.constant 0 : i32
    %dma_wait3A_488 = tpu.memref_slice %arg8[%dma_wait3A_486, %dma_wait3A_487] : memref<8x65536xf32, #tpu.memory_space<vmem>> -> memref<1x65536xf32, #tpu.memory_space<vmem>>
    %dma_wait3A_489 = tpu.memref_squeeze %dma_wait3A_488 : memref<1x65536xf32, #tpu.memory_space<vmem>> -> memref<65536xf32, #tpu.memory_space<vmem>>
    %dma_wait3A_490 = arith.constant 4063232 : i32
    %dma_wait3A_491 = tpu.memref_slice %arg3[%dma_wait3A_490] : memref<4194304xf32, #tpu.memory_space<any>> -> memref<65536xf32, #tpu.memory_space<any>>
    tpu.wait_dma2 semaphore(%arg10 : memref<!tpu.dma_semaphore, #tpu.memory_space<semaphore_mem>>) src(%dma_wait3A_491 : memref<65536xf32, #tpu.memory_space<any>>) dst(%dma_wait3A_489 : memref<65536xf32, #tpu.memory_space<vmem>>)
    %dma_wait3A_492 = arith.constant 7 : i32
    %dma_wait3A_493 = arith.constant 0 : i32
    %dma_wait3A_494 = tpu.memref_slice %arg8[%dma_wait3A_492, %dma_wait3A_493] : memref<8x65536xf32, #tpu.memory_space<vmem>> -> memref<1x65536xf32, #tpu.memory_space<vmem>>
    %dma_wait3A_495 = tpu.memref_squeeze %dma_wait3A_494 : memref<1x65536xf32, #tpu.memory_space<vmem>> -> memref<65536xf32, #tpu.memory_space<vmem>>
    %dma_wait3A_496 = arith.constant 4128768 : i32
    %dma_wait3A_497 = tpu.memref_slice %arg3[%dma_wait3A_496] : memref<4194304xf32, #tpu.memory_space<any>> -> memref<65536xf32, #tpu.memory_space<any>>
    tpu.wait_dma2 semaphore(%arg10 : memref<!tpu.dma_semaphore, #tpu.memory_space<semaphore_mem>>) src(%dma_wait3A_497 : memref<65536xf32, #tpu.memory_space<any>>) dst(%dma_wait3A_495 : memref<65536xf32, #tpu.memory_space<vmem>>)
    %get3A_498 = arith.constant 0 : index
    %get3A_499 = arith.constant 0 : index
    %get3A_500 = vector.load %arg8[%get3A_498, %get3A_499] : memref<8x65536xf32, #tpu.memory_space<vmem>>, vector<8x65536xf32>
    %abs3A_501 = math.absf %get3A_500 : vector<8x65536xf32>
    %reduce_sum3A_502 = vector.shape_cast %abs3A_501 : vector<8x65536xf32> to vector<1x8x65536xf32>
    %reduce_sum3A_503 = arith.constant dense<0.000000e+00> : vector<1xf32>
    %reduce_sum3A_504 = vector.multi_reduction <add>, %reduce_sum3A_502, %reduce_sum3A_503 [1, 2] : vector<1x8x65536xf32> to vector<1xf32>
    %reduce_sum3A_505 = vector.shape_cast %reduce_sum3A_504 : vector<1xf32> to vector<1x1x1xf32>
    %reduce_sum3A_506 = vector.extract %reduce_sum3A_505[0, 0, 0] : f32 from vector<1x1x1xf32>
    %add3A_507 = arith.addf %add3A_449, %reduce_sum3A_506 : f32
    %reshape3A_508 = vector.broadcast %add3A_507 : f32 to vector<1x1xf32>
    %swap3A_509 = arith.constant 0 : index
    %swap3A_510 = arith.constant 0 : index
    %swap3A_511 = vector.load %arg6[%swap3A_509, %swap3A_510] : memref<1x1xf32, #tpu.memory_space<vmem>>, vector<1x1xf32>
    tpu.vector_store %arg6[%swap3A_509, %swap3A_510], %reshape3A_508 {strides = array<i32>} : memref<1x1xf32, #tpu.memory_space<vmem>>, vector<1x1xf32>,
    return
  }
}

</mosaic_0001>

<sc_bundles>
// kernel: kernel.5.cloned.1.call-start
scs
__scs_entry_jumppad:
0x0: {  	(pc) =	sbr.rel $0x88, $3  }
0x1: {  	(tag) =	ssettag $0x0;
	lr =	simm.s32 $0x1  }
0x2: {  	[smem:$0x3F9D] =	sst lr;
	_ =	strace $0xD0000000  }
0x3: {  	_ = 	snop  }
0x4: {  	_ = 	snop  }
0x5: {  	_ = 	snop  }
0x6: {  	_ = 	snop  }
0x7: {  	_ = 	snop  }
__scs_overlays_trampoline_lowered:
0x8: {  	[smem:$0x3FAC] =	sst s0  }
0x9: {  	[smem:$0x3FAD] =	sst s1  }
0xa: {  	[smem:$0x3FAE] =	sst s2  }
0xb: {  	[smem:$0x3FAF] =	sst s3  }
0xc: {  	[smem:$0x3FB0] =	sst s4  }
0xd: {  	[smem:$0x3FB1] =	sst s5  }
0xe: {  	[smem:$0x3FB2] =	sst s6  }
0xf: {  	[smem:$0x3FB3] =	sst s7  }
0x10: {  	[smem:$0x3FB4] =	sst s8  }
0x11: {  	[smem:$0x3FB5] =	sst s9;
	s0 =	simm.s32 @!p0 $0x0  }
0x12: {  	s1 =	sld [smem:$0x3F9B];
	s0 =	simm.s32 @p0 $0x1  }
0x13: {  	[smem:$0x3FB6] =	sst s0;
	s0 =	simm.s32 @!p1 $0x0  }
0x14: {  	s2 =	sld [smem:$0x3F9A];
	s0 =	simm.s32 @p1 $0x1  }
0x15: {  	[smem:$0x3FB7] =	sst s0;
	s0 =	simm.s32 @!p2 $0x0  }
0x16: {  	s3 =	sld [smem:$0x3FDB];
	s0 =	simm.s32 @p2 $0x1  }
0x17: {  	s4 =	simm.s32 $0x1BF5;
	[smem:$0x3FB9] =	sst s0  }
0x18: {  	s0 =	sld [smem:$0x3F9C];
	_ =	swait.ge [sflag:s4], $0x0  }
0x19: {  	s7 =	sld [smem:$0x3F9D]  }
0x1a: {  	s8 =	sadd.s32 $0xFFFFE003, lr  }
0x1b: {  	s9 =	sadd.s32 $0xFFFFFEF7, lr;
	s5 =	simm.s32 $0xFFFFFFFF;
	p2 =	slt.u32 s8, $0xFFFFF086  }
0x1c: {  	p1 =	slt.u32 s9, $0xF7A;
	s5 =	simm.s32 @!p2 $0x0  }
0x1d: {  	s5 =	simm.s32 @p1 $0x1;
	p0 =	seq.s32 s7, s2  }
0x1e: {  	s7 =	smul.u32 @!p0 $0xF7A, s2;
	p2 =	seq.s32 @!p0 s5, $0x0  }
0x1f: {  	s9 =	smul.u32 $0xF7A, s1;
	s8 =	simm.s32 @!p0 $0x1BF5;
	p2 =	por !p2, p0  }
0x20: {  	[sflag:s8] =	ssyncset.s32 @!p0 $0xFFFFF086;
	s6 =	sadd.s32 @!p0 s3, s7;
	s7 =	simm.s32 @!p0 $0x108  }
0x21: {  	s3 =	sadd.s32 s3, s9;
	s6 =	sadd.s32 @!p0 $0x88, s6;
	s7 =	simm.s32 @p2 $0x1082  }
0x22: {  	[simem:s7], [sflag:s8] =	dma.local @!p0 [hbm:s6], $0xF7A  }
0x23: {  	s9 =	sor.u32 $0xD0000000, s2;
	s6 =	simm.s32 $0x108;
	_ =	swait.ge @!p0 [sflag:s8], $0x0  }
0x24: {  	s3 =	sadd.s32 $0x88, s3;
	s6 =	simm.s32 @!p1 $0x1082;
	[sflag:s4] =	ssyncset.s32 $0xFFFFF086  }
0x25: {  	[simem:s6], [sflag:s4] =	dma.local [hbm:s3], $0xF7A  }
0x26: {  	[smem:$0x3F9D] =	sst s1;
	(tag) =	ssettag s2;
	_ =	strace s9  }
0x27: {  	s1 =	sld [smem:$0x3FAD]  }
0x28: {  	s2 =	sld [smem:$0x3FAE]  }
0x29: {  	s4 =	sld [smem:$0x3FB0]  }
0x2a: {  	p0 =	seq.s32 s5, $0x0;
	s5 =	sld [smem:$0x3FB1]  }
0x2b: {  	s6 =	sld [smem:$0x3FB2]  }
0x2c: {  	s7 =	sld [smem:$0x3FB3]  }
0x2d: {  	s3 =	simm.s32 $0x108;
	s8 =	sld [smem:$0x3FB4]  }
0x2e: {  	s3 =	simm.s32 @!p0 $0x1082;
	s9 =	sld [smem:$0x3FB5]  }
0x2f: {  	lr =	sadd.s32 s0, s3;
	s0 =	sld [smem:$0x3FAC]  }
0x30: {  	s3 =	sld [smem:$0x3FAF]  }
0x31: {  	[smem:$0x3FB8] =	sst s10  }
0x32: {  	s10 =	sld [smem:$0x3FB6];
	_ =	sdelay $0x3  }
0x33: {  	p0 =	seq.s32 s10, $0x1;
	s10 =	sld [smem:$0x3FB8];
	_ =	sdelay $0x3  }
0x34: {  	[smem:$0x3FB8] =	sst s10  }
0x35: {  	s10 =	sld [smem:$0x3FB7];
	_ =	sdelay $0x3  }
0x36: {  	p1 =	seq.s32 s10, $0x1;
	s10 =	sld [smem:$0x3FB8];
	_ =	sdelay $0x3  }
0x37: {  	[smem:$0x3FB8] =	sst s10  }
0x38: {  	s10 =	sld [smem:$0x3FB9]  }
0x39: {  	_ = 	snop;
	(pc) =	sbr.ind lr, $3  }
0x3a: {  	_ = 	snop  }
0x3b: {  	_ = 	snop  }
0x3c: {  	p2 =	seq.s32 s10, $0x1;
	s10 =	sld [smem:$0x3FB8]  }
0x3d: {  	_ =	shalt  }
0x3e: {  	_ =	shalt  }
0x3f: {  	_ =	shalt  }
0x40: {  	_ =	shalt  }
0x41: {  	_ =	shalt  }
0x42: {  	_ =	shalt  }
0x43: {  	_ =	shalt  }
0x44: {  	_ =	shalt  }
0x45: {  	_ =	shalt  }
0x46: {  	_ =	shalt  }
0x47: {  	_ =	shalt  }
0x48: {  	_ =	shalt  }
0x49: {  	_ =	shalt  }
0x4a: {  	_ =	shalt  }
0x4b: {  	_ =	shalt  }
0x4c: {  	_ =	shalt  }
0x4d: {  	_ =	shalt  }
0x4e: {  	_ =	shalt  }
0x4f: {  	_ =	shalt  }
0x50: {  	_ =	shalt  }
0x51: {  	_ =	shalt  }
0x52: {  	_ =	shalt  }
0x53: {  	_ =	shalt  }
0x54: {  	_ =	shalt  }
0x55: {  	_ =	shalt  }
0x56: {  	_ =	shalt  }
0x57: {  	_ =	shalt  }
0x58: {  	_ =	shalt  }
0x59: {  	_ =	shalt  }
0x5a: {  	_ =	shalt  }
0x5b: {  	_ =	shalt  }
0x5c: {  	_ =	shalt  }
0x5d: {  	_ =	shalt  }
0x5e: {  	_ =	shalt  }
0x5f: {  	_ =	shalt  }
0x60: {  	_ =	shalt  }
0x61: {  	_ =	shalt  }
0x62: {  	_ =	shalt  }
0x63: {  	_ =	shalt  }
0x64: {  	_ =	shalt  }
0x65: {  	_ =	shalt  }
0x66: {  	_ =	shalt  }
0x67: {  	_ =	shalt  }
0x68: {  	_ =	shalt  }
0x69: {  	_ =	shalt  }
0x6a: {  	_ =	shalt  }
0x6b: {  	_ =	shalt  }
0x6c: {  	_ =	shalt  }
0x6d: {  	_ =	shalt  }
0x6e: {  	_ =	shalt  }
0x6f: {  	_ =	shalt  }
0x70: {  	_ =	shalt  }
0x71: {  	_ =	shalt  }
0x72: {  	_ =	shalt  }
0x73: {  	_ =	shalt  }
0x74: {  	_ =	shalt  }
0x75: {  	_ =	shalt  }
0x76: {  	_ =	shalt  }
0x77: {  	_ =	shalt  }
0x78: {  	_ =	shalt  }
0x79: {  	_ =	shalt  }
0x7a: {  	_ =	shalt  }
0x7b: {  	_ =	shalt  }
0x7c: {  	_ =	shalt  }
0x7d: {  	_ =	shalt  }
0x7e: {  	_ =	shalt  }
0x7f: {  	_ =	shalt  }
0x80: {  	_ =	shalt  }
0x81: {  	_ =	shalt  }
0x82: {  	_ =	shalt  }
0x83: {  	_ =	shalt  }
0x84: {  	_ =	shalt  }
0x85: {  	_ =	shalt  }
0x86: {  	_ =	shalt  }
0x87: {  	_ =	shalt  }
.Lfunc_end0:
.L_simem_size_0:
called_computation_lowered:
.L_overlay_start_0:
0x88: {  	s2 =	sld [smem:$0x3FD9]  }
0x89: {  	s3 =	sld [smem:$0x3FFE];
	_ =	sdelay $0x1  }
0x8a: {  	s1 =	srdreg.scid  }
0x8b: {  	s0 =	sand.u32 $0x1, s1  }
0x8c: {  	s17 =	sshll.u32 s0, $0xA;
	s2 =	sadd.s32 s3, s2  }
0x8d: {  	s2 =	sadd.s32 s2, s17  }
0x8e: {  	[smem:$0x3FC4] =	sst s2  }
0x8f: {  	_ = 	snop  }
0x90: {  	s2 =	sld [smem:$0x3FC7];
	(tm) =	ssettm $0x1  }
0x91: {  	s18 =	sld [smem:$0x3FFB];
	_ =	sdelay $0x3  }
0x92: {  	_ =	strace s18  }
0x93: {  	s3 =	sld [smem:$0x3FFC];
	_ =	sdelay $0x3  }
0x94: {  	_ =	strace s3  }
0x95: {  	s3 =	sld [smem:$0x3FFD];
	_ =	sdelay $0x3  }
0x96: {  	_ =	strace s3  }
0x97: {  	_ =	strace $0x8FFFFFFF  }
0x98: {  	s19 =	sld [smem:$0x3FDB];
	_ =	sdelay $0x1  }
0x99: {  	s4 =	simm.s32 $_scs_section_size  }
0x9a: {  	s5 =	simm.s32 $_size__tile_overlayer_lowered;
	s6 =	simm.s32 $_tile_overlayer_lowered  }
0x9b: {  	s22 =	simm.s32 $0x1BFF;
	s21 =	sshll.u32 s6, $0x1;
	s3 =	sadd.s32 s4, s19  }
0x9c: {  	s7 =	simm.s32 $0x0;
	s20 =	sshll.u32 s5, $0x1;
	s5 =	sadd.s32 s21, s3  }
0x9d: {  	[timem:s7], [sflag:s22] =	dma.local [hbm:s5], s20  }
0x9e: {  	_ =	swait.ge [sflag:s22], s20  }
0x9f: {  	s4 =	ssub.s32 $0x0, s20;
	[sflag:s22] =	ssyncset.done $0x0  }
0xa0: {  	[sflag:s22] =	ssyncadd.s32 s4;
	_ =	sdelay $0x1  }
0xa1: {  	s23 =	simm.s32 $0x1B8B  }
0xa2: {  	_ =	swait.ge [sflag:s23], $0x1  }
0xa3: {  	[sflag:s23] =	ssyncset.done $0x0  }
0xa4: {  	s25 =	simm.s32 $0x1B8E;
	s24 =	sld [smem:$0x3FFE];
	[sflag:s23] =	ssyncadd.s32 $0xFFFFFFFF  }
0xa5: {  	s26 =	simm.s32 $execute0_lowered;
	[smem:$0x3FD2] =	sst s25  }
0xa6: {  	s5 =	sshll.u32 s26, $0x1;
	_ =	strace $0x80000046;
	[dreg:$0x1] =	wrdreg $0xFFFFFFFF  }
0xa7: {  	s28 =	simm.s32 $_size_execute0_lowered;
	s3 =	sadd.s32 s3, s5;
	[dreg:$0x0] =	wrdreg $0x0  }
0xa8: {  	s5 =	sshll.u32 s28, $0x1;
	[dreg:$0x2] =	wrdreg s3  }
0xa9: {  	[dreg:$0x3] =	wrdreg s5  }
0xaa: {  	[dreg:$0x4] =	wrdreg $0xC0  }
0xab: {  	_ =	task [dreg:s7], $0x5FFFF  }
0xac: {  	[dreg:$0x1] =	wrdreg $0xFFFFFFFF  }
0xad: {  	[dreg:$0x0] =	wrdreg $0x60  }
0xae: {  	[dreg:$0x2] =	wrdreg s2  }
0xaf: {  	[dreg:$0x3] =	wrdreg s24  }
0xb0: {  	[dreg:$0x4] =	wrdreg $0x9  }
0xb1: {  	_ =	task.clear_ibuf [dreg:s7], $0x5FFFF;
	_ =	strace $0x90000046  }
0xb2: {  	s29 =	simm.s32 $0x9;
	_ =	strace $0x80000048  }
0xb3: {  	_ =	swait.ge [sflag:s29], $0x1  }
0xb4: {  	[sflag:s29] =	ssyncadd.s32 $0xFFFFFFFF  }
0xb5: {  	_ =	strace $0x90000048  }
0xb6: {  	_ =	sfence  }
0xb7: {  	s30 =	sld [smem:$0x0];
	_ =	sdelay $0x2  }
0xb8: {  	s31 =	sshll.u32 s1, $0xD;
	s1 =	sshrl.u32 s1, $0x2  }
0xb9: {  	s3 =	sand.u32 $0x4000, s31;
	s1 =	sadd.s32 s1, s30  }
0xba: {  	s0 =	sor.u32 s3, s0;
	s1 =	sshll.u32 s1, $0x11  }
0xbb: {  	s0 =	sor.u32 s1, s0  }
0xbc: {  	s0 =	sadd.s32 $0x8F2B, s0  }
0xbd: {  	[sflag:s0] =	ssyncadd.remote.s32 $0x1  }
0xbe: {  	_ =	sfence.sel $0xFFFF  }
0xbf: {  	[dreg:$0x0] =	wrdreg $0xFFFFFFFF;
	(pc) =	sbr.abs _section_cstart, $3  }
0xc0: {  	[dreg:$0x1] =	wrdreg $0xFFFFFFFF  }
0xc1: {  	_ =	task.clear_ibuf [dreg:s7], $0x2FFFF;
	_ =	strace $0x9FFFFFFF  }
0xc2: {  	(tm) =	ssettm $0x7FFFFFFF  }
0xc3: {  	_ =	shalt  }
tec
execute0_lowered:
.L_overlay_start_1:
0x0: {  	(tag) =	ssettag $0x1  }
0x1: {  	s3 =	rddreg [dreg:$0x0]  }
0x2: {  	s4 =	rddreg [dreg:$0x1]  }
0x3: {  	s0 =	rddreg [dreg:$0x2];
	s2 =	simm.s32 $0x0;
	s5 =	srdreg.scid  }
0x4: {  	s1 =	stileid.u32;
	s9 =	simm.s32 $0x4000;
	s10 =	simm.s32 $0x1  }
0x5: {  	s11 =	simm.s32 $0x2;
	s12 =	simm.s32 $0x8000;
	s13 =	simm.s32 $0x3  }
0x6: {  	[smem:$0x7FF] =	sst s2;
	s5 =	sand.u32 $0x1, s5;
	s6 =	sshll.u32 s1, $0x1  }
0x7: {  	s14 =	simm.s32 $0x0;
	_ =	strace $0x80000047;
	s6 =	sor.u32 s5, s6  }
0x8: {  	s5 =	ssub.s32 $0x2, s5;
	s7 =	sshll.u32 s6, $0x4;
	s6 =	sshll.u32 s6, $0xD  }
0x9: {  	s31 =	sshrl.u32 s5, $0x1;
	s7 =	sadd.s32 s7, s4;
	s3 =	sadd.s32 s3, s6  }
0xa: {  	s8 =	ssub.s32 s5, s31;
	s4 =	sadd.s32 $0x800, s3;
	s5 =	sadd.s32 $0x1000, s3  }
0xb: {  	s6 =	sadd.s32 $0x1800, s3;
	s7 =	sadd.s32 $0x1200, s7;
	s8 =	smax.u32 s8, $0x1  }
.LBB2_1:
0xc: {  	[tilespmem:s2], [sflag:$0x1] =	stream.linear.gather [hbm4b:s3+s2], $0x4000, $0x38;
	[tilespmem:$0x8080] =	vst v63  }
0xd: {  	_ = 	snop  }
0xe: {  	[tilespmem:s9], [sflag:$0x2] =	stream.linear.gather [hbm4b:s4+s2], $0x4000, $0x38;
	[tilespmem:$0x8080] =	vst v63  }
0xf: {  	_ =	swait.ge [sflag:s10], $0x4000  }
0x10: {  	[sflag:s10] =	ssyncset.done $0x0  }
0x11: {  	s17 =	simm.s32 $0x0;
	[sflag:s10] =	ssyncadd.s32 $0xFFFFC000  }
0x12: {  	v0 =	vld [tilespmem:s17+$0x70]  }
0x13: {  	v1 =	vld [tilespmem:s17+$0x0]  }
0x14: {  	v3 =	vld [tilespmem:s17+$0x10];
	_ =	sdelay $0x1  }
0x15: {  	v9 =	vld [tilespmem:s17+$0x20]  }
0x16: {  	v2 =	vimm.f32 $0.0e+00;
	v6 =	vimm.f32 $0.0e+00;
	v8 =	vld [tilespmem:s17+$0x30]  }
0x17: {  	v7 =	vimm.f32 $0.0e+00;
	v5 =	vimm.f32 $0.0e+00;
	v10 =	vld [tilespmem:s17+$0x40];
	v0 =	vand.u32 $0x7FFFFFFF, v0  }
0x18: {  	v11 =	vld [tilespmem:s17+$0x50];
	v4 =	vand.u32 $0x7FFFFFFF, v1;
	v13 =	vand.u32 $0x7FFFFFFF, v3;
	v3 =	vimm.f32 $0.0e+00  }
0x19: {  	s15 =	simm.s32 $0x80;
	s16 =	simm.s32 $0x400;
	v12 =	vld [tilespmem:s17+$0x60];
	v1 =	vadd.f32 v0, v2;
	v0 =	vadd.f32 v4, v2;
	v4 =	vimm.f32 $0.0e+00  }
.LBB2_2:
0x1a: {  	p0 =	sne.s32 s16, $0xFE00;
	v14 =	vld [tilespmem:s15+$0x70];
	v2 =	vadd.f32 v13, v2;
	v9 =	vand.u32 $0x7FFFFFFF, v9  }
0x1b: {  	v13 =	vld [tilespmem:s15+$0x0];
	v6 =	vadd.f32 v9, v6;
	v8 =	vand.u32 $0x7FFFFFFF, v8  }
0x1c: {  	v15 =	vld [tilespmem:s15+$0x10];
	v4 =	vadd.f32 v8, v4;
	v8 =	vand.u32 $0x7FFFFFFF, v10  }
.Ltmp0:
0x1d: {  	v9 =	vld [tilespmem:s15+$0x20];
	v7 =	vadd.f32 v8, v7;
	v10 =	vand.u32 $0x7FFFFFFF, v11;
	(pc) =	sbr.rel @p0 .LBB2_2-.Ltmp0, $4  }
0x1e: {  	v8 =	vld [tilespmem:s15+$0x30];
	v5 =	vadd.f32 v10, v5;
	v11 =	vand.u32 $0x7FFFFFFF, v12  }
0x1f: {  	v10 =	vld [tilespmem:s15+$0x40];
	v12 =	vand.u32 $0x7FFFFFFF, v14;
	v3 =	vadd.f32 v11, v3  }
0x20: {  	v13 =	vand.u32 $0x7FFFFFFF, v13;
	v11 =	vld [tilespmem:s15+$0x50];
	v1 =	vadd.f32 v12, v1  }
0x21: {  	v0 =	vadd.f32 v13, v0;
	v13 =	vand.u32 $0x7FFFFFFF, v15;
	v12 =	vld [tilespmem:s15+$0x60];
	s15 =	sshra.s32 s16, $0x2;
	s16 =	sadd.s32 $0x200, s16  }
0x22: {  	v14 =	vld [tilespmem:s15+$0x70]  }
0x23: {  	v15 =	vld [tilespmem:s15+$0x0]  }
0x24: {  	v16 =	vld [tilespmem:s15+$0x10]  }
0x25: {  	v17 =	vld [tilespmem:s15+$0x20]  }
0x26: {  	v18 =	vld [tilespmem:s15+$0x30]  }
0x27: {  	v19 =	vld [tilespmem:s15+$0x40]  }
0x28: {  	v20 =	vld [tilespmem:s15+$0x50];
	s31 =	simm.s32 $0x0  }
0x29: {  	v21 =	vld [tilespmem:s15+$0x60];
	[tilespmem:s31], [sflag:$0x1] =	stream.linear.gather [hbm4b:s5+s31], $0x4000, $0x38  }
0x2a: {  	v2 =	vadd.f32 v13, v2;
	v9 =	vand.u32 $0x7FFFFFFF, v9;
	_ =	swait.ge [sflag:s11], $0x4000  }
0x2b: {  	v9 =	vadd.f32 v9, v6;
	v6 =	vand.u32 $0x7FFFFFFF, v8;
	v8 =	vand.u32 $0x7FFFFFFF, v10;
	[sflag:s11] =	ssyncset.done $0x0  }
0x2c: {  	s17 =	simm.s32 $0x0;
	v4 =	vadd.f32 v6, v4;
	v7 =	vadd.f32 v8, v7;
	v6 =	vand.u32 $0x7FFFFFFF, v11;
	[sflag:s11] =	ssyncadd.s32 $0xFFFFC000  }
0x2d: {  	v5 =	vadd.f32 v6, v5;
	v6 =	vand.u32 $0x7FFFFFFF, v12;
	v8 =	vand.u32 $0x7FFFFFFF, v14;
	v11 =	vld [tilespmem:s17+$0x4070]  }
0x2e: {  	v12 =	vadd.f32 v6, v3;
	v3 =	vand.u32 $0x7FFFFFFF, v15;
	v14 =	vld [tilespmem:s17+$0x4000];
	v13 =	vadd.f32 v8, v1  }
0x2f: {  	v63 =	vld [tilespmem:s17+$0x4010];
	v15 =	vadd.f32 v3, v0;
	v0 =	vand.u32 $0x7FFFFFFF, v16;
	v1 =	vand.u32 $0x7FFFFFFF, v17  }
0x30: {  	v8 =	vld [tilespmem:s17+$0x4020];
	v6 =	vadd.f32 v0, v2;
	v3 =	vadd.f32 v1, v9;
	v0 =	vand.u32 $0x7FFFFFFF, v18  }
0x31: {  	v2 =	vand.u32 $0x7FFFFFFF, v20;
	v9 =	vld [tilespmem:s17+$0x4030];
	v1 =	vadd.f32 v0, v4;
	v0 =	vand.u32 $0x7FFFFFFF, v19  }
0x32: {  	v10 =	vld [tilespmem:s17+$0x4040];
	v2 =	vadd.f32 v2, v5;
	v7 =	vadd.f32 v0, v7;
	v0 =	vand.u32 $0x7FFFFFFF, v21  }
0x33: {  	v0 =	vadd.f32 v0, v12;
	v4 =	vand.u32 $0x7FFFFFFF, v11;
	v5 =	vand.u32 $0x7FFFFFFF, v14;
	v11 =	vld [tilespmem:s17+$0x4050]  }
0x34: {  	s15 =	simm.s32 $0x80;
	s16 =	simm.s32 $0x400;
	v12 =	vld [tilespmem:s17+$0x4060];
	v4 =	vadd.f32 v4, v13;
	v5 =	vadd.f32 v5, v15;
	v13 =	vand.u32 $0x7FFFFFFF, v63  }
.LBB2_4:
0x35: {  	p0 =	sne.s32 s16, $0xFE00;
	v14 =	vld [tilespmem:s15+$0x4070];
	v6 =	vadd.f32 v13, v6;
	v8 =	vand.u32 $0x7FFFFFFF, v8  }
0x36: {  	v13 =	vld [tilespmem:s15+$0x4000];
	v3 =	vadd.f32 v8, v3;
	v8 =	vand.u32 $0x7FFFFFFF, v9  }
0x37: {  	v15 =	vld [tilespmem:s15+$0x4010];
	v1 =	vadd.f32 v8, v1;
	v9 =	vand.u32 $0x7FFFFFFF, v10  }
.Ltmp1:
0x38: {  	v8 =	vld [tilespmem:s15+$0x4020];
	v7 =	vadd.f32 v9, v7;
	v10 =	vand.u32 $0x7FFFFFFF, v11;
	(pc) =	sbr.rel @p0 .LBB2_4-.Ltmp1, $4  }
0x39: {  	v9 =	vld [tilespmem:s15+$0x4030];
	v2 =	vadd.f32 v10, v2;
	v11 =	vand.u32 $0x7FFFFFFF, v12  }
0x3a: {  	v10 =	vld [tilespmem:s15+$0x4040];
	v12 =	vand.u32 $0x7FFFFFFF, v14;
	v0 =	vadd.f32 v11, v0  }
0x3b: {  	v13 =	vand.u32 $0x7FFFFFFF, v13;
	v11 =	vld [tilespmem:s15+$0x4050];
	v4 =	vadd.f32 v12, v4  }
0x3c: {  	v5 =	vadd.f32 v13, v5;
	v13 =	vand.u32 $0x7FFFFFFF, v15;
	v12 =	vld [tilespmem:s15+$0x4060];
	s15 =	sshra.s32 s16, $0x2;
	s16 =	sadd.s32 $0x200, s16  }
0x3d: {  	v14 =	vld [tilespmem:s15+$0x4070]  }
0x3e: {  	v15 =	vld [tilespmem:s15+$0x4000]  }
0x3f: {  	v16 =	vld [tilespmem:s15+$0x4010]  }
0x40: {  	v17 =	vld [tilespmem:s15+$0x4020]  }
0x41: {  	v18 =	vld [tilespmem:s15+$0x4030]  }
0x42: {  	v19 =	vld [tilespmem:s15+$0x4040]  }
0x43: {  	v20 =	vld [tilespmem:s15+$0x4050];
	s31 =	simm.s32 $0x0  }
0x44: {  	v21 =	vld [tilespmem:s15+$0x4060];
	[tilespmem:s9], [sflag:$0x2] =	stream.linear.gather [hbm4b:s6+s31], $0x4000, $0x38  }
0x45: {  	v6 =	vadd.f32 v13, v6;
	v8 =	vand.u32 $0x7FFFFFFF, v8;
	_ =	swait.ge [sflag:s10], $0x4000  }
0x46: {  	v3 =	vadd.f32 v8, v3;
	v8 =	vand.u32 $0x7FFFFFFF, v9;
	v9 =	vand.u32 $0x7FFFFFFF, v10;
	[sflag:s10] =	ssyncset.done $0x0  }
0x47: {  	s17 =	simm.s32 $0x0;
	v1 =	vadd.f32 v8, v1;
	v7 =	vadd.f32 v9, v7;
	v8 =	vand.u32 $0x7FFFFFFF, v11;
	[sflag:s10] =	ssyncadd.s32 $0xFFFFC000  }
0x48: {  	v2 =	vadd.f32 v8, v2;
	v8 =	vand.u32 $0x7FFFFFFF, v12;
	v9 =	vand.u32 $0x7FFFFFFF, v14;
	v11 =	vld [tilespmem:s17+$0x70]  }
0x49: {  	v0 =	vadd.f32 v8, v0;
	v8 =	vand.u32 $0x7FFFFFFF, v15;
	v12 =	vld [tilespmem:s17+$0x0];
	v4 =	vadd.f32 v9, v4  }
0x4a: {  	v13 =	vld [tilespmem:s17+$0x10];
	v5 =	vadd.f32 v8, v5;
	v8 =	vand.u32 $0x7FFFFFFF, v16;
	v9 =	vand.u32 $0x7FFFFFFF, v17  }
0x4b: {  	v6 =	vadd.f32 v8, v6;
	v3 =	vadd.f32 v9, v3;
	v9 =	vand.u32 $0x7FFFFFFF, v18;
	v8 =	vld [tilespmem:s17+$0x20]  }
0x4c: {  	v10 =	vand.u32 $0x7FFFFFFF, v19;
	v14 =	vand.u32 $0x7FFFFFFF, v20;
	v1 =	vadd.f32 v9, v1;
	v9 =	vld [tilespmem:s17+$0x30]  }
0x4d: {  	v7 =	vadd.f32 v10, v7;
	v2 =	vadd.f32 v14, v2;
	v14 =	vand.u32 $0x7FFFFFFF, v21;
	v10 =	vld [tilespmem:s17+$0x40]  }
0x4e: {  	v0 =	vadd.f32 v14, v0;
	v14 =	vand.u32 $0x7FFFFFFF, v11;
	v12 =	vand.u32 $0x7FFFFFFF, v12;
	v11 =	vld [tilespmem:s17+$0x50]  }
0x4f: {  	s15 =	simm.s32 $0x80;
	s16 =	simm.s32 $0x400;
	v13 =	vand.u32 $0x7FFFFFFF, v13;
	v4 =	vadd.f32 v14, v4;
	v5 =	vadd.f32 v12, v5;
	v12 =	vld [tilespmem:s17+$0x60]  }
.LBB2_6:
0x50: {  	p0 =	sne.s32 s16, $0xFE00;
	v14 =	vld [tilespmem:s15+$0x70];
	v6 =	vadd.f32 v13, v6;
	v8 =	vand.u32 $0x7FFFFFFF, v8  }
0x51: {  	v13 =	vld [tilespmem:s15+$0x0];
	v3 =	vadd.f32 v8, v3;
	v8 =	vand.u32 $0x7FFFFFFF, v9  }
0x52: {  	v15 =	vld [tilespmem:s15+$0x10];
	v1 =	vadd.f32 v8, v1;
	v9 =	vand.u32 $0x7FFFFFFF, v10  }
.Ltmp2:
0x53: {  	v8 =	vld [tilespmem:s15+$0x20];
	v7 =	vadd.f32 v9, v7;
	v10 =	vand.u32 $0x7FFFFFFF, v11;
	(pc) =	sbr.rel @p0 .LBB2_6-.Ltmp2, $4  }
0x54: {  	v9 =	vld [tilespmem:s15+$0x30];
	v2 =	vadd.f32 v10, v2;
	v11 =	vand.u32 $0x7FFFFFFF, v12  }
0x55: {  	v10 =	vld [tilespmem:s15+$0x40];
	v12 =	vand.u32 $0x7FFFFFFF, v14;
	v0 =	vadd.f32 v11, v0  }
0x56: {  	v13 =	vand.u32 $0x7FFFFFFF, v13;
	v11 =	vld [tilespmem:s15+$0x50];
	v4 =	vadd.f32 v12, v4  }
0x57: {  	v5 =	vadd.f32 v13, v5;
	v13 =	vand.u32 $0x7FFFFFFF, v15;
	v12 =	vld [tilespmem:s15+$0x60];
	s15 =	sshra.s32 s16, $0x2;
	s16 =	sadd.s32 $0x200, s16  }
0x58: {  	v14 =	vld [tilespmem:s15+$0x70]  }
0x59: {  	v15 =	vld [tilespmem:s15+$0x0]  }
0x5a: {  	v16 =	vld [tilespmem:s15+$0x10]  }
0x5b: {  	v17 =	vld [tilespmem:s15+$0x20]  }
0x5c: {  	v18 =	vld [tilespmem:s15+$0x30]  }
0x5d: {  	v19 =	vld [tilespmem:s15+$0x40]  }
0x5e: {  	v20 =	vld [tilespmem:s15+$0x50]  }
0x5f: {  	v21 =	vld [tilespmem:s15+$0x60];
	v6 =	vadd.f32 v13, v6;
	v8 =	vand.u32 $0x7FFFFFFF, v8;
	_ =	swait.ge [sflag:s11], $0x4000  }
0x60: {  	v3 =	vadd.f32 v8, v3;
	v8 =	vand.u32 $0x7FFFFFFF, v9;
	[sflag:s11] =	ssyncset.done $0x0;
	v9 =	vand.u32 $0x7FFFFFFF, v10  }
0x61: {  	s17 =	simm.s32 $0x0;
	v1 =	vadd.f32 v8, v1;
	[sflag:s11] =	ssyncadd.s32 $0xFFFFC000;
	v7 =	vadd.f32 v9, v7;
	v8 =	vand.u32 $0x7FFFFFFF, v11  }
0x62: {  	v2 =	vadd.f32 v8, v2;
	v8 =	vand.u32 $0x7FFFFFFF, v12;
	v12 =	vld [tilespmem:s17+$0x4070];
	v9 =	vand.u32 $0x7FFFFFFF, v14  }
0x63: {  	v0 =	vadd.f32 v8, v0;
	v8 =	vand.u32 $0x7FFFFFFF, v15;
	v14 =	vld [tilespmem:s17+$0x4000];
	v13 =	vadd.f32 v9, v4  }
0x64: {  	v15 =	vld [tilespmem:s17+$0x4010];
	v8 =	vadd.f32 v8, v5;
	v4 =	vand.u32 $0x7FFFFFFF, v16;
	v5 =	vand.u32 $0x7FFFFFFF, v17  }
0x65: {  	v11 =	vld [tilespmem:s17+$0x4020];
	v9 =	vand.u32 $0x7FFFFFFF, v20;
	v5 =	vadd.f32 v5, v3;
	v3 =	vand.u32 $0x7FFFFFFF, v18  }
0x66: {  	v10 =	vld [tilespmem:s17+$0x4030];
	v6 =	vadd.f32 v4, v6;
	v4 =	vadd.f32 v3, v1;
	v1 =	vand.u32 $0x7FFFFFFF, v19  }
0x67: {  	v2 =	vadd.f32 v9, v2;
	v9 =	vld [tilespmem:s17+$0x4040];
	v3 =	vadd.f32 v1, v7;
	v1 =	vand.u32 $0x7FFFFFFF, v21  }
0x68: {  	v7 =	vld [tilespmem:s17+$0x4050];
	v1 =	vadd.f32 v1, v0;
	v0 =	vand.u32 $0x7FFFFFFF, v12;
	v12 =	vand.u32 $0x7FFFFFFF, v14  }
0x69: {  	s15 =	simm.s32 $0x80;
	s16 =	simm.s32 $0x400;
	v0 =	vadd.f32 v0, v13;
	v12 =	vadd.f32 v12, v8;
	v13 =	vand.u32 $0x7FFFFFFF, v15;
	v8 =	vld [tilespmem:s17+$0x4060]  }
.LBB2_8:
0x6a: {  	p0 =	sne.s32 s16, $0xFE00;
	v14 =	vld [tilespmem:s15+$0x4070];
	v6 =	vadd.f32 v13, v6;
	v11 =	vand.u32 $0x7FFFFFFF, v11  }
0x6b: {  	v13 =	vld [tilespmem:s15+$0x4000];
	v5 =	vadd.f32 v11, v5;
	v10 =	vand.u32 $0x7FFFFFFF, v10  }
0x6c: {  	v15 =	vld [tilespmem:s15+$0x4010];
	v4 =	vadd.f32 v10, v4;
	v9 =	vand.u32 $0x7FFFFFFF, v9  }
.Ltmp3:
0x6d: {  	v11 =	vld [tilespmem:s15+$0x4020];
	v3 =	vadd.f32 v9, v3;
	v7 =	vand.u32 $0x7FFFFFFF, v7;
	(pc) =	sbr.rel @p0 .LBB2_8-.Ltmp3, $4  }
0x6e: {  	v10 =	vld [tilespmem:s15+$0x4030];
	v2 =	vadd.f32 v7, v2;
	v7 =	vand.u32 $0x7FFFFFFF, v8  }
0x6f: {  	v9 =	vld [tilespmem:s15+$0x4040];
	v8 =	vand.u32 $0x7FFFFFFF, v14;
	v1 =	vadd.f32 v7, v1  }
0x70: {  	v13 =	vand.u32 $0x7FFFFFFF, v13;
	v7 =	vld [tilespmem:s15+$0x4050];
	v0 =	vadd.f32 v8, v0  }
0x71: {  	v12 =	vadd.f32 v13, v12;
	v13 =	vand.u32 $0x7FFFFFFF, v15;
	v8 =	vld [tilespmem:s15+$0x4060];
	s15 =	sshra.s32 s16, $0x2;
	s16 =	sadd.s32 $0x200, s16  }
0x72: {  	v14 =	vld [tilespmem:s15+$0x4000]  }
0x73: {  	v15 =	vld [tilespmem:s15+$0x4010];
	_ =	sdelay $0x1  }
0x74: {  	v16 =	vld [tilespmem:s15+$0x4020];
	_ =	sdelay $0x1  }
0x75: {  	v6 =	vadd.f32 v13, v6;
	v11 =	vand.u32 $0x7FFFFFFF, v11;
	v51 =	vld [tilespmem:s15+$0x4030]  }
0x76: {  	v5 =	vadd.f32 v11, v5;
	v52 =	vand.u32 $0x7FFFFFFF, v14;
	v53 =	vand.u32 $0x7FFFFFFF, v15  }
0x77: {  	v54 =	vld [tilespmem:s15+$0x4040];
	v10 =	vand.u32 $0x7FFFFFFF, v10;
	v11 =	vadd.f32 v52, v12;
	v6 =	vadd.f32 v53, v6  }
0x78: {  	v4 =	vadd.f32 v10, v4;
	v55 =	vand.u32 $0x7FFFFFFF, v16  }
0x79: {  	v56 =	vld [tilespmem:s15+$0x4050];
	v9 =	vand.u32 $0x7FFFFFFF, v9;
	v5 =	vadd.f32 v55, v5;
	v6 =	vadd.f32 v6, v11  }
0x7a: {  	v3 =	vadd.f32 v9, v3;
	v57 =	vand.u32 $0x7FFFFFFF, v51  }
0x7b: {  	v58 =	vld [tilespmem:s15+$0x4060];
	v7 =	vand.u32 $0x7FFFFFFF, v7;
	v4 =	vadd.f32 v57, v4;
	v5 =	vadd.f32 v5, v6  }
0x7c: {  	v2 =	vadd.f32 v7, v2;
	v59 =	vand.u32 $0x7FFFFFFF, v54  }
0x7d: {  	v60 =	vld [tilespmem:s15+$0x4070];
	v8 =	vand.u32 $0x7FFFFFFF, v8;
	v3 =	vadd.f32 v59, v3;
	v4 =	vadd.f32 v4, v5  }
0x7e: {  	v1 =	vadd.f32 v8, v1;
	v61 =	vand.u32 $0x7FFFFFFF, v56  }
0x7f: {  	v2 =	vadd.f32 v61, v2;
	v3 =	vadd.f32 v3, v4  }
0x80: {  	v62 =	vand.u32 $0x7FFFFFFF, v58  }
0x81: {  	v1 =	vadd.f32 v62, v1;
	v2 =	vadd.f32 v2, v3  }
0x82: {  	v63 =	vand.u32 $0x7FFFFFFF, v60  }
0x83: {  	v0 =	vadd.f32 v63, v0;
	v1 =	vadd.f32 v1, v2;
	_ =	sdelay $0x1  }
0x84: {  	s14 =	sadd.s32 $0x1, s14;
	v0 =	vadd.f32 v0, v1  }
0x85: {  	p0 =	sne.s32 s14, s8  }
.Ltmp4:
0x86: {  	[tilespmem:$0x8000] =	vst v0;
	(pc) =	sbr.rel @p0 .LBB2_1-.Ltmp4, $4  }
0x87: {  	[hbm4b:s7+s2] =	stream.linear.scatter [tilespmem:s12], [sflag:$0x3], $0x80, $0x38;
	[tilespmem:$0x8080] =	vst v63  }
0x88: {  	_ =	swait.ge [sflag:s13], $0x80  }
0x89: {  	[sflag:s13] =	ssyncset.done $0x0  }
0x8a: {  	[sflag:s13] =	ssyncadd.s32 $0xFFFFFF80  }
0x8b: {  	_ =	sfence.sel $0x180000  }
0x8c: {  	[bflag:$0x0] =	sbarrier.arrive $0xFFFF  }
0x8d: {  	p0 =	sne.s32 s1, $0x0;
	_ =	strace $0x90000047  }
0x8e: {  	s0 =	sadd.s32 @!p0 $0x100000, s0;
	[bflag:$0x2] =	sbarrier.arrive $0xFFFF  }
0x8f: {  	[sflag:s0] =	ssyncadd.tile.s32 @!p0 $0x1;
	_ =	shalt  }
.Lfunc_end2:
_tile_overlayer_lowered:
.L_overlay_start_2:
0x90: {  	(tag) =	ssettag $0x2  }
0x91: {  	s0 =	rddreg [dreg:$0x0];
	s2 =	stileid.u32  }
0x92: {  	s1 =	rddreg [dreg:$0x1];
	p0 =	sne.s32 s2, $0x0  }
0x93: {  	s3 =	rddreg [dreg:$0x2];
	[bflag:$0x3] =	sbarrier.arrive $0xFFFF;
	s2 =	simm.s32 @!p0 $0x1C03  }
0x94: {  	[timem:s3], [sflag:s2] =	dma.local @!p0 [hbm:s0], s1  }
0x95: {  	s0 =	simm.s32 @!p0 $0x3  }
0x96: {  	_ =	swait.ge @!p0 [sflag:s0], s1  }
0x97: {  	s1 =	ssub.s32 @!p0 $0x0, s1;
	[sflag:s0] =	ssyncset.done @!p0 $0x0  }
0x98: {  	[sflag:s0] =	ssyncadd.s32 @!p0 s1  }
0x99: {  	[bflag:$0x3] =	sbarrier.arrive $0xFFFF  }
0x9a: {  	_ =	shalt  }

</sc_bundles>
